<compile_context>
chip_gen: v7x
topology: tpu7x:2x2x1
jax: 0.10.2.dev20260603
libtpu: 0.0.44.dev20260713+nightly
codegen_flags: <defaults>
</compile_context>

<pallas_src>
import functools

import jax
import jax.numpy as jnp
from jax import lax
from jax.experimental import pallas as pl
from jax.experimental.pallas import tpu as pltpu
from jax.experimental.pallas import tpu_sc as plsc

B = 16384
D = 128
NC = 2
NS = 16
NW = NC * NS
CH = 128
NBUF = 3


@functools.cache
def _build_sc_gather(nrows):
    bpw = nrows // NW
    nch = bpw // CH
    nbuf = min(NBUF, nch)
    mesh = plsc.VectorSubcoreMesh(core_axis_name="c", subcore_axis_name="s")

    @functools.partial(
        pl.kernel,
        mesh=mesh,
        out_type=(
            jax.ShapeDtypeStruct((nrows, D), jnp.float32),
            jax.ShapeDtypeStruct((nrows, D), jnp.float32),
        ),
        scratch_types=[
            pltpu.VMEM((bpw,), jnp.int32),
            pltpu.VMEM((bpw,), jnp.int32),
            pltpu.VMEM((nbuf, CH, D), jnp.float32),
            pltpu.VMEM((nbuf, CH, D), jnp.float32),
            pltpu.SemaphoreType.DMA,
            pltpu.SemaphoreType.DMA,
            pltpu.SemaphoreType.DMA,
            pltpu.SemaphoreType.DMA,
            pltpu.SemaphoreType.DMA,
        ],
    )
    def _sc_gather(gidx_hbm, iidx_hbm, gtab_hbm, itab_hbm, gout_hbm, iout_hbm,
                   gidx_v, iidx_v, gbuf, ibuf, sem_x, sem_g, sem_i, sem_wg,
                   sem_wi):
        wid = lax.axis_index("s") * NC + lax.axis_index("c")
        base = wid * bpw
        cx = pltpu.async_copy(gidx_hbm.at[pl.ds(base, bpw)], gidx_v, sem_x)
        cy = pltpu.async_copy(iidx_hbm.at[pl.ds(base, bpw)], iidx_v, sem_x)
        cx.wait()
        cy.wait()

        def fire_g(c):
            return pltpu.async_copy(
                gtab_hbm.at[gidx_v.at[pl.ds(c * CH, CH)]], gbuf.at[c % nbuf],
                sem_g)

        def fire_i(c):
            return pltpu.async_copy(
                itab_hbm.at[iidx_v.at[pl.ds(c * CH, CH)]], ibuf.at[c % nbuf],
                sem_i)

        gc = [None] * nch
        ic = [None] * nch
        gw = [None] * nch
        iw = [None] * nch
        for c in range(nbuf):
            gc[c] = fire_g(c)
            ic[c] = fire_i(c)
        for c in range(nch):
            off = base + c * CH
            gc[c].wait()
            gw[c] = pltpu.async_copy(gbuf.at[c % nbuf],
                                     gout_hbm.at[pl.ds(off, CH)], sem_wg)
            ic[c].wait()
            iw[c] = pltpu.async_copy(ibuf.at[c % nbuf],
                                     iout_hbm.at[pl.ds(off, CH)], sem_wi)
            fc = c + nbuf
            if fc < nch:
                gw[c].wait()
                gc[fc] = fire_g(fc)
                iw[c].wait()
                ic[fc] = fire_i(fc)
        for c in range(nch):
            if c + nbuf >= nch:
                gw[c].wait()
                iw[c].wait()

    return _sc_gather


BT = 8192


def _mlp_body(g_ref, i_ref, a_ref, b_ref, c_ref, b1_ref, w2_ref, b2_ref, o_ref):
    g = g_ref[...]
    it = i_ref[...]
    m = g * it
    h = (jnp.dot(m, a_ref[...], preferred_element_type=jnp.float32)
         + jnp.dot(g, b_ref[...], preferred_element_type=jnp.float32)
         + jnp.dot(it, c_ref[...], preferred_element_type=jnp.float32)
         + b1_ref[...])
    h = jnp.maximum(h, 0.0)
    y = jnp.sum(h * w2_ref[...], axis=1, keepdims=True) + b2_ref[...]
    o_ref[...] = 1.0 / (1.0 + jnp.exp(-y))


def _mlp(g_rows, i_rows, W1a, W1b, W1c, b1, W2, b2):
    n = g_rows.shape[0]
    bt = min(BT, n)
    return pl.pallas_call(
        _mlp_body,
        grid=(n // bt,),
        in_specs=[
            pl.BlockSpec((bt, D), lambda b: (b, 0)),
            pl.BlockSpec((bt, D), lambda b: (b, 0)),
            pl.BlockSpec((D, 8), lambda b: (0, 0)),
            pl.BlockSpec((D, 8), lambda b: (0, 0)),
            pl.BlockSpec((D, 8), lambda b: (0, 0)),
            pl.BlockSpec((1, 8), lambda b: (0, 0)),
            pl.BlockSpec((1, 8), lambda b: (0, 0)),
            pl.BlockSpec((1, 1), lambda b: (0, 0)),
        ],
        out_specs=pl.BlockSpec((bt, 1), lambda b: (b, 0)),
        out_shape=jax.ShapeDtypeStruct((n, 1), jnp.float32),
    )(g_rows, i_rows, W1a, W1b, W1c, b1, W2, b2)


def kernel(group_inputs, item_inputs, group_table, item_table, W1, b1, W2, b2):
    gidx = group_inputs.astype(jnp.int32)
    iidx = item_inputs.astype(jnp.int32)
    W1a = W1[0:D]
    W1b = W1[D:2 * D]
    W1c = W1[2 * D:3 * D]
    b1r = b1.reshape(1, 8)
    w2r = W2.reshape(1, 8)
    b2r = b2.reshape(1, 1)
    g_rows, i_rows = _build_sc_gather(B)(gidx, iidx, group_table, item_table)
    return _mlp(g_rows, i_rows, W1a, W1b, W1c, b1r, w2r, b2r)

# --- scband reference (transcript-rebuilt; emitter-appended) ---
"""Pipeline reference for scband-ncf-20091857010781 (READ-ONLY COPY).

The authoritative reference and input builder live on the scoring server;
editing this copy changes nothing except your own understanding.
"""

import jax, jax.numpy as jnp
import numpy as np

NUM_ITEMS = 100000
NUM_GROUPS = 100000
EMBED_DIM = 128
BATCH = 16384


def setup_inputs(seed: int = 0) -> dict:
    key = jax.random.key(seed)
    k1, k2, k3, k4, k5, k6, k7, k8 = jax.random.split(key, 8)
    group_inputs = jax.random.randint(k1, (BATCH,), 0, NUM_GROUPS, dtype=jnp.int64 if jax.config.read('jax_enable_x64') else jnp.int32)
    item_inputs = jax.random.randint(k2, (BATCH,), 0, NUM_ITEMS, dtype=jnp.int64 if jax.config.read('jax_enable_x64') else jnp.int32)
    # xavier-normal embeddings
    std_g = float(np.sqrt(2.0 / (NUM_GROUPS + EMBED_DIM)))
    std_i = float(np.sqrt(2.0 / (NUM_ITEMS + EMBED_DIM)))
    group_table = jax.random.normal(k3, (NUM_GROUPS, EMBED_DIM), dtype=jnp.float32) * std_g
    item_table = jax.random.normal(k4, (NUM_ITEMS, EMBED_DIM), dtype=jnp.float32) * std_i
    # predict layer: Linear(3*embed_dim, 8) -> ReLU -> Linear(8, 1); weights init normal_(std=1)
    W1 = jax.random.normal(k5, (3 * EMBED_DIM, 8), dtype=jnp.float32)
    b1 = jnp.zeros((8,), dtype=jnp.float32)
    W2 = jax.random.normal(k6, (8, 1), dtype=jnp.float32)
    b2 = jnp.zeros((1,), dtype=jnp.float32)
    return {
        'group_inputs': group_inputs,
        'item_inputs': item_inputs,
        'group_table': group_table,
        'item_table': item_table,
        'W1': W1,
        'b1': b1,
        'W2': W2,
        'b2': b2,
    }


def reference(group_inputs, item_inputs, group_table, item_table, W1, b1, W2, b2):
    group_embed = jnp.take(group_table, group_inputs, axis=0)
    item_embed = jnp.take(item_table, item_inputs, axis=0)
    ncf_input = jnp.concatenate((group_embed * item_embed, group_embed, item_embed), axis=-1)
    h = jax.nn.relu(ncf_input @ W1 + b1)
    y = jax.nn.sigmoid(h @ W2 + b2)
    return y

if __name__ == "__main__":
    import jax
    _d = setup_inputs()
    print(jax.jit(kernel)(*tuple(_d.values())))

</pallas_src>

<mosaic_0001>
#map = affine_map<(d0, d1) -> (0)>
#map1 = affine_map<(d0, d1) -> (0, 0)>
module attributes {stable_mosaic.version = 14 : i64} {
  func.func @_sc_gather(%arg0: i32, %arg1: i32, %arg2: memref<16384xi32, #tpu.memory_space<hbm>>, %arg3: memref<16384xi32, #tpu.memory_space<hbm>>, %arg4: memref<100000x128xf32, #tpu.memory_space<hbm>>, %arg5: memref<100000x128xf32, #tpu.memory_space<hbm>>, %arg6: memref<16384x128xf32, #tpu.memory_space<hbm>>, %arg7: memref<16384x128xf32, #tpu.memory_space<hbm>>, %arg8: memref<512xi32, #tpu.memory_space<vmem>>, %arg9: memref<512xi32, #tpu.memory_space<vmem>>, %arg10: memref<3x128x128xf32, #tpu.memory_space<vmem>>, %arg11: memref<3x128x128xf32, #tpu.memory_space<vmem>>, %arg12: memref<!tpu.dma_semaphore, #tpu.memory_space<semaphore_mem>>, %arg13: memref<!tpu.dma_semaphore, #tpu.memory_space<semaphore_mem>>, %arg14: memref<!tpu.dma_semaphore, #tpu.memory_space<semaphore_mem>>, %arg15: memref<!tpu.dma_semaphore, #tpu.memory_space<semaphore_mem>>, %arg16: memref<!tpu.dma_semaphore, #tpu.memory_space<semaphore_mem>>) attributes {dimension_semantics = [#tpu.dimension_semantics<core_parallel>, #tpu.dimension_semantics<subcore_parallel>], iteration_bounds = array<i64: 2, 16>, scalar_prefetch = 0 : i64, scratch_operands = 9 : i64, tpu.core_type = #tpu.core_type<sc_vector_subcore>, window_params = [{transform_indices = #map}, {transform_indices = #map}, {transform_indices = #map1}, {transform_indices = #map1}, {transform_indices = #map1}, {transform_indices = #map1}]} {
    %mul3A = arith.constant 2 : i32
    %mul3A_0 = arith.muli %arg1, %mul3A : i32
    %add3A = arith.addi %mul3A_0, %arg0 : i32
    %mul3A_1 = arith.constant 512 : i32
    %mul3A_2 = arith.muli %add3A, %mul3A_1 : i32
    %dma_start3A = tpu.memref_slice %arg2[%mul3A_2] : memref<16384xi32, #tpu.memory_space<hbm>> -> memref<512xi32, #tpu.memory_space<hbm>>
    %dma_start3A_3 = tpu.memref_slice %arg2[%mul3A_2] : memref<16384xi32, #tpu.memory_space<hbm>> -> memref<512xi32, #tpu.memory_space<hbm>>
    tpu.enqueue_dma source(%dma_start3A_3 : memref<512xi32, #tpu.memory_space<hbm>>) target(%arg8 : memref<512xi32, #tpu.memory_space<vmem>>) target_semaphore(%arg12 : memref<!tpu.dma_semaphore, #tpu.memory_space<semaphore_mem>>)
    %dma_start3A_4 = tpu.memref_slice %arg3[%mul3A_2] : memref<16384xi32, #tpu.memory_space<hbm>> -> memref<512xi32, #tpu.memory_space<hbm>>
    %dma_start3A_5 = tpu.memref_slice %arg3[%mul3A_2] : memref<16384xi32, #tpu.memory_space<hbm>> -> memref<512xi32, #tpu.memory_space<hbm>>
    tpu.enqueue_dma source(%dma_start3A_5 : memref<512xi32, #tpu.memory_space<hbm>>) target(%arg9 : memref<512xi32, #tpu.memory_space<vmem>>) target_semaphore(%arg12 : memref<!tpu.dma_semaphore, #tpu.memory_space<semaphore_mem>>)
    %dma_wait3A = tpu.memref_slice %arg2[%mul3A_2] : memref<16384xi32, #tpu.memory_space<hbm>> -> memref<512xi32, #tpu.memory_space<hbm>>
    %dma_wait3A_6 = tpu.memref_slice %arg2[%mul3A_2] : memref<16384xi32, #tpu.memory_space<hbm>> -> memref<512xi32, #tpu.memory_space<hbm>>
    tpu.wait_dma2 semaphore(%arg12 : memref<!tpu.dma_semaphore, #tpu.memory_space<semaphore_mem>>) src(%dma_wait3A_6 : memref<512xi32, #tpu.memory_space<hbm>>) dst(%arg8 : memref<512xi32, #tpu.memory_space<vmem>>)
    %dma_wait3A_7 = tpu.memref_slice %arg3[%mul3A_2] : memref<16384xi32, #tpu.memory_space<hbm>> -> memref<512xi32, #tpu.memory_space<hbm>>
    %dma_wait3A_8 = tpu.memref_slice %arg3[%mul3A_2] : memref<16384xi32, #tpu.memory_space<hbm>> -> memref<512xi32, #tpu.memory_space<hbm>>
    tpu.wait_dma2 semaphore(%arg12 : memref<!tpu.dma_semaphore, #tpu.memory_space<semaphore_mem>>) src(%dma_wait3A_8 : memref<512xi32, #tpu.memory_space<hbm>>) dst(%arg9 : memref<512xi32, #tpu.memory_space<vmem>>)
    %dma_start3A_9 = arith.constant 0 : i32
    %dma_start3A_10 = arith.constant 0 : i32
    %dma_start3A_11 = arith.constant 0 : i32
    %dma_start3A_12 = tpu.memref_slice %arg10[%dma_start3A_9, %dma_start3A_10, %dma_start3A_11] : memref<3x128x128xf32, #tpu.memory_space<vmem>> -> memref<1x128x128xf32, #tpu.memory_space<vmem>>
    %dma_start3A_13 = tpu.memref_squeeze %dma_start3A_12 : memref<1x128x128xf32, #tpu.memory_space<vmem>> -> memref<128x128xf32, #tpu.memory_space<vmem>>
    %dma_start3A_14 = arith.constant 0 : i32
    %dma_start3A_15 = tpu.memref_slice %arg8[%dma_start3A_14] : memref<512xi32, #tpu.memory_space<vmem>> -> memref<128xi32, #tpu.memory_space<vmem>>
    %dma_start3A_16 = arith.constant 0 : i32
    %dma_start3A_17 = arith.constant 0 : i32
    %dma_start3A_18 = tpu.memref_slice %arg4[%dma_start3A_16, %dma_start3A_17] : memref<100000x128xf32, #tpu.memory_space<hbm>> -> memref<100000x128xf32, #tpu.memory_space<hbm>>
    tpu.enqueue_indirect_dma source(%dma_start3A_18 : memref<100000x128xf32, #tpu.memory_space<hbm>>) target(%dma_start3A_13 : memref<128x128xf32, #tpu.memory_space<vmem>>) offsets(%dma_start3A_15 : memref<128xi32, #tpu.memory_space<vmem>>) semaphore(%arg13 : memref<!tpu.dma_semaphore, #tpu.memory_space<semaphore_mem>>)
    %dma_start3A_19 = arith.constant 0 : i32
    %dma_start3A_20 = arith.constant 0 : i32
    %dma_start3A_21 = arith.constant 0 : i32
    %dma_start3A_22 = tpu.memref_slice %arg11[%dma_start3A_19, %dma_start3A_20, %dma_start3A_21] : memref<3x128x128xf32, #tpu.memory_space<vmem>> -> memref<1x128x128xf32, #tpu.memory_space<vmem>>
    %dma_start3A_23 = tpu.memref_squeeze %dma_start3A_22 : memref<1x128x128xf32, #tpu.memory_space<vmem>> -> memref<128x128xf32, #tpu.memory_space<vmem>>
    %dma_start3A_24 = arith.constant 0 : i32
    %dma_start3A_25 = tpu.memref_slice %arg9[%dma_start3A_24] : memref<512xi32, #tpu.memory_space<vmem>> -> memref<128xi32, #tpu.memory_space<vmem>>
    %dma_start3A_26 = arith.constant 0 : i32
    %dma_start3A_27 = arith.constant 0 : i32
    %dma_start3A_28 = tpu.memref_slice %arg5[%dma_start3A_26, %dma_start3A_27] : memref<100000x128xf32, #tpu.memory_space<hbm>> -> memref<100000x128xf32, #tpu.memory_space<hbm>>
    tpu.enqueue_indirect_dma source(%dma_start3A_28 : memref<100000x128xf32, #tpu.memory_space<hbm>>) target(%dma_start3A_23 : memref<128x128xf32, #tpu.memory_space<vmem>>) offsets(%dma_start3A_25 : memref<128xi32, #tpu.memory_space<vmem>>) semaphore(%arg14 : memref<!tpu.dma_semaphore, #tpu.memory_space<semaphore_mem>>)
    %dma_start3A_29 = arith.constant 1 : i32
    %dma_start3A_30 = arith.constant 0 : i32
    %dma_start3A_31 = arith.constant 0 : i32
    %dma_start3A_32 = tpu.memref_slice %arg10[%dma_start3A_29, %dma_start3A_30, %dma_start3A_31] : memref<3x128x128xf32, #tpu.memory_space<vmem>> -> memref<1x128x128xf32, #tpu.memory_space<vmem>>
    %dma_start3A_33 = tpu.memref_squeeze %dma_start3A_32 : memref<1x128x128xf32, #tpu.memory_space<vmem>> -> memref<128x128xf32, #tpu.memory_space<vmem>>
    %dma_start3A_34 = arith.constant 128 : i32
    %dma_start3A_35 = tpu.memref_slice %arg8[%dma_start3A_34] : memref<512xi32, #tpu.memory_space<vmem>> -> memref<128xi32, #tpu.memory_space<vmem>>
    %dma_start3A_36 = arith.constant 0 : i32
    %dma_start3A_37 = arith.constant 0 : i32
    %dma_start3A_38 = tpu.memref_slice %arg4[%dma_start3A_36, %dma_start3A_37] : memref<100000x128xf32, #tpu.memory_space<hbm>> -> memref<100000x128xf32, #tpu.memory_space<hbm>>
    tpu.enqueue_indirect_dma source(%dma_start3A_38 : memref<100000x128xf32, #tpu.memory_space<hbm>>) target(%dma_start3A_33 : memref<128x128xf32, #tpu.memory_space<vmem>>) offsets(%dma_start3A_35 : memref<128xi32, #tpu.memory_space<vmem>>) semaphore(%arg13 : memref<!tpu.dma_semaphore, #tpu.memory_space<semaphore_mem>>)
    %dma_start3A_39 = arith.constant 1 : i32
    %dma_start3A_40 = arith.constant 0 : i32
    %dma_start3A_41 = arith.constant 0 : i32
    %dma_start3A_42 = tpu.memref_slice %arg11[%dma_start3A_39, %dma_start3A_40, %dma_start3A_41] : memref<3x128x128xf32, #tpu.memory_space<vmem>> -> memref<1x128x128xf32, #tpu.memory_space<vmem>>
    %dma_start3A_43 = tpu.memref_squeeze %dma_start3A_42 : memref<1x128x128xf32, #tpu.memory_space<vmem>> -> memref<128x128xf32, #tpu.memory_space<vmem>>
    %dma_start3A_44 = arith.constant 128 : i32
    %dma_start3A_45 = tpu.memref_slice %arg9[%dma_start3A_44] : memref<512xi32, #tpu.memory_space<vmem>> -> memref<128xi32, #tpu.memory_space<vmem>>
    %dma_start3A_46 = arith.constant 0 : i32
    %dma_start3A_47 = arith.constant 0 : i32
    %dma_start3A_48 = tpu.memref_slice %arg5[%dma_start3A_46, %dma_start3A_47] : memref<100000x128xf32, #tpu.memory_space<hbm>> -> memref<100000x128xf32, #tpu.memory_space<hbm>>
    tpu.enqueue_indirect_dma source(%dma_start3A_48 : memref<100000x128xf32, #tpu.memory_space<hbm>>) target(%dma_start3A_43 : memref<128x128xf32, #tpu.memory_space<vmem>>) offsets(%dma_start3A_45 : memref<128xi32, #tpu.memory_space<vmem>>) semaphore(%arg14 : memref<!tpu.dma_semaphore, #tpu.memory_space<semaphore_mem>>)
    %dma_start3A_49 = arith.constant 2 : i32
    %dma_start3A_50 = arith.constant 0 : i32
    %dma_start3A_51 = arith.constant 0 : i32
    %dma_start3A_52 = tpu.memref_slice %arg10[%dma_start3A_49, %dma_start3A_50, %dma_start3A_51] : memref<3x128x128xf32, #tpu.memory_space<vmem>> -> memref<1x128x128xf32, #tpu.memory_space<vmem>>
    %dma_start3A_53 = tpu.memref_squeeze %dma_start3A_52 : memref<1x128x128xf32, #tpu.memory_space<vmem>> -> memref<128x128xf32, #tpu.memory_space<vmem>>
    %dma_start3A_54 = arith.constant 256 : i32
    %dma_start3A_55 = tpu.memref_slice %arg8[%dma_start3A_54] : memref<512xi32, #tpu.memory_space<vmem>> -> memref<128xi32, #tpu.memory_space<vmem>>
    %dma_start3A_56 = arith.constant 0 : i32
    %dma_start3A_57 = arith.constant 0 : i32
    %dma_start3A_58 = tpu.memref_slice %arg4[%dma_start3A_56, %dma_start3A_57] : memref<100000x128xf32, #tpu.memory_space<hbm>> -> memref<100000x128xf32, #tpu.memory_space<hbm>>
    tpu.enqueue_indirect_dma source(%dma_start3A_58 : memref<100000x128xf32, #tpu.memory_space<hbm>>) target(%dma_start3A_53 : memref<128x128xf32, #tpu.memory_space<vmem>>) offsets(%dma_start3A_55 : memref<128xi32, #tpu.memory_space<vmem>>) semaphore(%arg13 : memref<!tpu.dma_semaphore, #tpu.memory_space<semaphore_mem>>)
    %dma_start3A_59 = arith.constant 2 : i32
    %dma_start3A_60 = arith.constant 0 : i32
    %dma_start3A_61 = arith.constant 0 : i32
    %dma_start3A_62 = tpu.memref_slice %arg11[%dma_start3A_59, %dma_start3A_60, %dma_start3A_61] : memref<3x128x128xf32, #tpu.memory_space<vmem>> -> memref<1x128x128xf32, #tpu.memory_space<vmem>>
    %dma_start3A_63 = tpu.memref_squeeze %dma_start3A_62 : memref<1x128x128xf32, #tpu.memory_space<vmem>> -> memref<128x128xf32, #tpu.memory_space<vmem>>
    %dma_start3A_64 = arith.constant 256 : i32
    %dma_start3A_65 = tpu.memref_slice %arg9[%dma_start3A_64] : memref<512xi32, #tpu.memory_space<vmem>> -> memref<128xi32, #tpu.memory_space<vmem>>
    %dma_start3A_66 = arith.constant 0 : i32
    %dma_start3A_67 = arith.constant 0 : i32
    %dma_start3A_68 = tpu.memref_slice %arg5[%dma_start3A_66, %dma_start3A_67] : memref<100000x128xf32, #tpu.memory_space<hbm>> -> memref<100000x128xf32, #tpu.memory_space<hbm>>
    tpu.enqueue_indirect_dma source(%dma_start3A_68 : memref<100000x128xf32, #tpu.memory_space<hbm>>) target(%dma_start3A_63 : memref<128x128xf32, #tpu.memory_space<vmem>>) offsets(%dma_start3A_65 : memref<128xi32, #tpu.memory_space<vmem>>) semaphore(%arg14 : memref<!tpu.dma_semaphore, #tpu.memory_space<semaphore_mem>>)
    %add3A_69 = arith.constant 0 : i32
    %add3A_70 = arith.addi %mul3A_2, %add3A_69 : i32
    %dma_wait3A_71 = arith.constant 0 : i32
    %dma_wait3A_72 = arith.constant 0 : i32
    %dma_wait3A_73 = arith.constant 0 : i32
    %dma_wait3A_74 = tpu.memref_slice %arg10[%dma_wait3A_71, %dma_wait3A_72, %dma_wait3A_73] : memref<3x128x128xf32, #tpu.memory_space<vmem>> -> memref<1x128x128xf32, #tpu.memory_space<vmem>>
    %dma_wait3A_75 = tpu.memref_squeeze %dma_wait3A_74 : memref<1x128x128xf32, #tpu.memory_space<vmem>> -> memref<128x128xf32, #tpu.memory_space<vmem>>
    %dma_wait3A_76 = arith.constant 0 : i32
    %dma_wait3A_77 = tpu.memref_slice %arg8[%dma_wait3A_76] : memref<512xi32, #tpu.memory_space<vmem>> -> memref<128xi32, #tpu.memory_space<vmem>>
    %dma_wait3A_78 = arith.constant 0 : i32
    %dma_wait3A_79 = arith.constant 0 : i32
    %dma_wait3A_80 = tpu.memref_slice %arg4[%dma_wait3A_78, %dma_wait3A_79] : memref<100000x128xf32, #tpu.memory_space<hbm>> -> memref<100000x128xf32, #tpu.memory_space<hbm>>
    tpu.wait_indirect_dma semaphore(%arg13 : memref<!tpu.dma_semaphore, #tpu.memory_space<semaphore_mem>>) src(%dma_wait3A_80 : memref<100000x128xf32, #tpu.memory_space<hbm>>) dst(%dma_wait3A_75 : memref<128x128xf32, #tpu.memory_space<vmem>>)
    %dma_start3A_81 = arith.constant 0 : i32
    %dma_start3A_82 = arith.constant 0 : i32
    %dma_start3A_83 = arith.constant 0 : i32
    %dma_start3A_84 = tpu.memref_slice %arg10[%dma_start3A_81, %dma_start3A_82, %dma_start3A_83] : memref<3x128x128xf32, #tpu.memory_space<vmem>> -> memref<1x128x128xf32, #tpu.memory_space<vmem>>
    %dma_start3A_85 = tpu.memref_squeeze %dma_start3A_84 : memref<1x128x128xf32, #tpu.memory_space<vmem>> -> memref<128x128xf32, #tpu.memory_space<vmem>>
    %dma_start3A_86 = arith.constant 0 : i32
    %dma_start3A_87 = tpu.memref_slice %arg6[%add3A_70, %dma_start3A_86] : memref<16384x128xf32, #tpu.memory_space<hbm>> -> memref<128x128xf32, #tpu.memory_space<hbm>>
    %dma_start3A_88 = arith.constant 0 : i32
    %dma_start3A_89 = tpu.memref_slice %arg6[%add3A_70, %dma_start3A_88] : memref<16384x128xf32, #tpu.memory_space<hbm>> -> memref<128x128xf32, #tpu.memory_space<hbm>>
    %dma_start3A_90 = arith.constant 0 : i32
    %dma_start3A_91 = arith.constant 0 : i32
    %dma_start3A_92 = tpu.memref_slice %arg10[%dma_start3A_81, %dma_start3A_90, %dma_start3A_91] : memref<3x128x128xf32, #tpu.memory_space<vmem>> -> memref<1x128x128xf32, #tpu.memory_space<vmem>>
    %dma_start3A_93 = tpu.memref_squeeze %dma_start3A_92 : memref<1x128x128xf32, #tpu.memory_space<vmem>> -> memref<128x128xf32, #tpu.memory_space<vmem>>
    tpu.enqueue_dma source(%dma_start3A_93 : memref<128x128xf32, #tpu.memory_space<vmem>>) target(%dma_start3A_89 : memref<128x128xf32, #tpu.memory_space<hbm>>) target_semaphore(%arg15 : memref<!tpu.dma_semaphore, #tpu.memory_space<semaphore_mem>>)
    %dma_wait3A_94 = arith.constant 0 : i32
    %dma_wait3A_95 = arith.constant 0 : i32
    %dma_wait3A_96 = arith.constant 0 : i32
    %dma_wait3A_97 = tpu.memref_slice %arg11[%dma_wait3A_94, %dma_wait3A_95, %dma_wait3A_96] : memref<3x128x128xf32, #tpu.memory_space<vmem>> -> memref<1x128x128xf32, #tpu.memory_space<vmem>>
    %dma_wait3A_98 = tpu.memref_squeeze %dma_wait3A_97 : memref<1x128x128xf32, #tpu.memory_space<vmem>> -> memref<128x128xf32, #tpu.memory_space<vmem>>
    %dma_wait3A_99 = arith.constant 0 : i32
    %dma_wait3A_100 = tpu.memref_slice %arg9[%dma_wait3A_99] : memref<512xi32, #tpu.memory_space<vmem>> -> memref<128xi32, #tpu.memory_space<vmem>>
    %dma_wait3A_101 = arith.constant 0 : i32
    %dma_wait3A_102 = arith.constant 0 : i32
    %dma_wait3A_103 = tpu.memref_slice %arg5[%dma_wait3A_101, %dma_wait3A_102] : memref<100000x128xf32, #tpu.memory_space<hbm>> -> memref<100000x128xf32, #tpu.memory_space<hbm>>
    tpu.wait_indirect_dma semaphore(%arg14 : memref<!tpu.dma_semaphore, #tpu.memory_space<semaphore_mem>>) src(%dma_wait3A_103 : memref<100000x128xf32, #tpu.memory_space<hbm>>) dst(%dma_wait3A_98 : memref<128x128xf32, #tpu.memory_space<vmem>>)
    %dma_start3A_104 = arith.constant 0 : i32
    %dma_start3A_105 = arith.constant 0 : i32
    %dma_start3A_106 = arith.constant 0 : i32
    %dma_start3A_107 = tpu.memref_slice %arg11[%dma_start3A_104, %dma_start3A_105, %dma_start3A_106] : memref<3x128x128xf32, #tpu.memory_space<vmem>> -> memref<1x128x128xf32, #tpu.memory_space<vmem>>
    %dma_start3A_108 = tpu.memref_squeeze %dma_start3A_107 : memref<1x128x128xf32, #tpu.memory_space<vmem>> -> memref<128x128xf32, #tpu.memory_space<vmem>>
    %dma_start3A_109 = arith.constant 0 : i32
    %dma_start3A_110 = tpu.memref_slice %arg7[%add3A_70, %dma_start3A_109] : memref<16384x128xf32, #tpu.memory_space<hbm>> -> memref<128x128xf32, #tpu.memory_space<hbm>>
    %dma_start3A_111 = arith.constant 0 : i32
    %dma_start3A_112 = tpu.memref_slice %arg7[%add3A_70, %dma_start3A_111] : memref<16384x128xf32, #tpu.memory_space<hbm>> -> memref<128x128xf32, #tpu.memory_space<hbm>>
    %dma_start3A_113 = arith.constant 0 : i32
    %dma_start3A_114 = arith.constant 0 : i32
    %dma_start3A_115 = tpu.memref_slice %arg11[%dma_start3A_104, %dma_start3A_113, %dma_start3A_114] : memref<3x128x128xf32, #tpu.memory_space<vmem>> -> memref<1x128x128xf32, #tpu.memory_space<vmem>>
    %dma_start3A_116 = tpu.memref_squeeze %dma_start3A_115 : memref<1x128x128xf32, #tpu.memory_space<vmem>> -> memref<128x128xf32, #tpu.memory_space<vmem>>
    tpu.enqueue_dma source(%dma_start3A_116 : memref<128x128xf32, #tpu.memory_space<vmem>>) target(%dma_start3A_112 : memref<128x128xf32, #tpu.memory_space<hbm>>) target_semaphore(%arg16 : memref<!tpu.dma_semaphore, #tpu.memory_space<semaphore_mem>>)
    %dma_wait3A_117 = arith.constant 0 : i32
    %dma_wait3A_118 = arith.constant 0 : i32
    %dma_wait3A_119 = arith.constant 0 : i32
    %dma_wait3A_120 = tpu.memref_slice %arg10[%dma_wait3A_117, %dma_wait3A_118, %dma_wait3A_119] : memref<3x128x128xf32, #tpu.memory_space<vmem>> -> memref<1x128x128xf32, #tpu.memory_space<vmem>>
    %dma_wait3A_121 = tpu.memref_squeeze %dma_wait3A_120 : memref<1x128x128xf32, #tpu.memory_space<vmem>> -> memref<128x128xf32, #tpu.memory_space<vmem>>
    %dma_wait3A_122 = arith.constant 0 : i32
    %dma_wait3A_123 = tpu.memref_slice %arg6[%add3A_70, %dma_wait3A_122] : memref<16384x128xf32, #tpu.memory_space<hbm>> -> memref<128x128xf32, #tpu.memory_space<hbm>>
    %dma_wait3A_124 = arith.constant 0 : i32
    %dma_wait3A_125 = tpu.memref_slice %arg6[%add3A_70, %dma_wait3A_124] : memref<16384x128xf32, #tpu.memory_space<hbm>> -> memref<128x128xf32, #tpu.memory_space<hbm>>
    %dma_wait3A_126 = arith.constant 0 : i32
    %dma_wait3A_127 = arith.constant 0 : i32
    %dma_wait3A_128 = tpu.memref_slice %arg10[%dma_wait3A_117, %dma_wait3A_126, %dma_wait3A_127] : memref<3x128x128xf32, #tpu.memory_space<vmem>> -> memref<1x128x128xf32, #tpu.memory_space<vmem>>
    %dma_wait3A_129 = tpu.memref_squeeze %dma_wait3A_128 : memref<1x128x128xf32, #tpu.memory_space<vmem>> -> memref<128x128xf32, #tpu.memory_space<vmem>>
    tpu.wait_dma2 semaphore(%arg15 : memref<!tpu.dma_semaphore, #tpu.memory_space<semaphore_mem>>) src(%dma_wait3A_129 : memref<128x128xf32, #tpu.memory_space<vmem>>) dst(%dma_wait3A_125 : memref<128x128xf32, #tpu.memory_space<hbm>>)
    %dma_start3A_130 = arith.constant 0 : i32
    %dma_start3A_131 = arith.constant 0 : i32
    %dma_start3A_132 = arith.constant 0 : i32
    %dma_start3A_133 = tpu.memref_slice %arg10[%dma_start3A_130, %dma_start3A_131, %dma_start3A_132] : memref<3x128x128xf32, #tpu.memory_space<vmem>> -> memref<1x128x128xf32, #tpu.memory_space<vmem>>
    %dma_start3A_134 = tpu.memref_squeeze %dma_start3A_133 : memref<1x128x128xf32, #tpu.memory_space<vmem>> -> memref<128x128xf32, #tpu.memory_space<vmem>>
    %dma_start3A_135 = arith.constant 384 : i32
    %dma_start3A_136 = tpu.memref_slice %arg8[%dma_start3A_135] : memref<512xi32, #tpu.memory_space<vmem>> -> memref<128xi32, #tpu.memory_space<vmem>>
    %dma_start3A_137 = arith.constant 0 : i32
    %dma_start3A_138 = arith.constant 0 : i32
    %dma_start3A_139 = tpu.memref_slice %arg4[%dma_start3A_137, %dma_start3A_138] : memref<100000x128xf32, #tpu.memory_space<hbm>> -> memref<100000x128xf32, #tpu.memory_space<hbm>>
    tpu.enqueue_indirect_dma source(%dma_start3A_139 : memref<100000x128xf32, #tpu.memory_space<hbm>>) target(%dma_start3A_134 : memref<128x128xf32, #tpu.memory_space<vmem>>) offsets(%dma_start3A_136 : memref<128xi32, #tpu.memory_space<vmem>>) semaphore(%arg13 : memref<!tpu.dma_semaphore, #tpu.memory_space<semaphore_mem>>)
    %dma_wait3A_140 = arith.constant 0 : i32
    %dma_wait3A_141 = arith.constant 0 : i32
    %dma_wait3A_142 = arith.constant 0 : i32
    %dma_wait3A_143 = tpu.memref_slice %arg11[%dma_wait3A_140, %dma_wait3A_141, %dma_wait3A_142] : memref<3x128x128xf32, #tpu.memory_space<vmem>> -> memref<1x128x128xf32, #tpu.memory_space<vmem>>
    %dma_wait3A_144 = tpu.memref_squeeze %dma_wait3A_143 : memref<1x128x128xf32, #tpu.memory_space<vmem>> -> memref<128x128xf32, #tpu.memory_space<vmem>>
    %dma_wait3A_145 = arith.constant 0 : i32
    %dma_wait3A_146 = tpu.memref_slice %arg7[%add3A_70, %dma_wait3A_145] : memref<16384x128xf32, #tpu.memory_space<hbm>> -> memref<128x128xf32, #tpu.memory_space<hbm>>
    %dma_wait3A_147 = arith.constant 0 : i32
    %dma_wait3A_148 = tpu.memref_slice %arg7[%add3A_70, %dma_wait3A_147] : memref<16384x128xf32, #tpu.memory_space<hbm>> -> memref<128x128xf32, #tpu.memory_space<hbm>>
    %dma_wait3A_149 = arith.constant 0 : i32
    %dma_wait3A_150 = arith.constant 0 : i32
    %dma_wait3A_151 = tpu.memref_slice %arg11[%dma_wait3A_140, %dma_wait3A_149, %dma_wait3A_150] : memref<3x128x128xf32, #tpu.memory_space<vmem>> -> memref<1x128x128xf32, #tpu.memory_space<vmem>>
    %dma_wait3A_152 = tpu.memref_squeeze %dma_wait3A_151 : memref<1x128x128xf32, #tpu.memory_space<vmem>> -> memref<128x128xf32, #tpu.memory_space<vmem>>
    tpu.wait_dma2 semaphore(%arg16 : memref<!tpu.dma_semaphore, #tpu.memory_space<semaphore_mem>>) src(%dma_wait3A_152 : memref<128x128xf32, #tpu.memory_space<vmem>>) dst(%dma_wait3A_148 : memref<128x128xf32, #tpu.memory_space<hbm>>)
    %dma_start3A_153 = arith.constant 0 : i32
    %dma_start3A_154 = arith.constant 0 : i32
    %dma_start3A_155 = arith.constant 0 : i32
    %dma_start3A_156 = tpu.memref_slice %arg11[%dma_start3A_153, %dma_start3A_154, %dma_start3A_155] : memref<3x128x128xf32, #tpu.memory_space<vmem>> -> memref<1x128x128xf32, #tpu.memory_space<vmem>>
    %dma_start3A_157 = tpu.memref_squeeze %dma_start3A_156 : memref<1x128x128xf32, #tpu.memory_space<vmem>> -> memref<128x128xf32, #tpu.memory_space<vmem>>
    %dma_start3A_158 = arith.constant 384 : i32
    %dma_start3A_159 = tpu.memref_slice %arg9[%dma_start3A_158] : memref<512xi32, #tpu.memory_space<vmem>> -> memref<128xi32, #tpu.memory_space<vmem>>
    %dma_start3A_160 = arith.constant 0 : i32
    %dma_start3A_161 = arith.constant 0 : i32
    %dma_start3A_162 = tpu.memref_slice %arg5[%dma_start3A_160, %dma_start3A_161] : memref<100000x128xf32, #tpu.memory_space<hbm>> -> memref<100000x128xf32, #tpu.memory_space<hbm>>
    tpu.enqueue_indirect_dma source(%dma_start3A_162 : memref<100000x128xf32, #tpu.memory_space<hbm>>) target(%dma_start3A_157 : memref<128x128xf32, #tpu.memory_space<vmem>>) offsets(%dma_start3A_159 : memref<128xi32, #tpu.memory_space<vmem>>) semaphore(%arg14 : memref<!tpu.dma_semaphore, #tpu.memory_space<semaphore_mem>>)
    %add3A_163 = arith.constant 128 : i32
    %add3A_164 = arith.addi %mul3A_2, %add3A_163 : i32
    %dma_wait3A_165 = arith.constant 1 : i32
    %dma_wait3A_166 = arith.constant 0 : i32
    %dma_wait3A_167 = arith.constant 0 : i32
    %dma_wait3A_168 = tpu.memref_slice %arg10[%dma_wait3A_165, %dma_wait3A_166, %dma_wait3A_167] : memref<3x128x128xf32, #tpu.memory_space<vmem>> -> memref<1x128x128xf32, #tpu.memory_space<vmem>>
    %dma_wait3A_169 = tpu.memref_squeeze %dma_wait3A_168 : memref<1x128x128xf32, #tpu.memory_space<vmem>> -> memref<128x128xf32, #tpu.memory_space<vmem>>
    %dma_wait3A_170 = arith.constant 128 : i32
    %dma_wait3A_171 = tpu.memref_slice %arg8[%dma_wait3A_170] : memref<512xi32, #tpu.memory_space<vmem>> -> memref<128xi32, #tpu.memory_space<vmem>>
    %dma_wait3A_172 = arith.constant 0 : i32
    %dma_wait3A_173 = arith.constant 0 : i32
    %dma_wait3A_174 = tpu.memref_slice %arg4[%dma_wait3A_172, %dma_wait3A_173] : memref<100000x128xf32, #tpu.memory_space<hbm>> -> memref<100000x128xf32, #tpu.memory_space<hbm>>
    tpu.wait_indirect_dma semaphore(%arg13 : memref<!tpu.dma_semaphore, #tpu.memory_space<semaphore_mem>>) src(%dma_wait3A_174 : memref<100000x128xf32, #tpu.memory_space<hbm>>) dst(%dma_wait3A_169 : memref<128x128xf32, #tpu.memory_space<vmem>>)
    %dma_start3A_175 = arith.constant 1 : i32
    %dma_start3A_176 = arith.constant 0 : i32
    %dma_start3A_177 = arith.constant 0 : i32
    %dma_start3A_178 = tpu.memref_slice %arg10[%dma_start3A_175, %dma_start3A_176, %dma_start3A_177] : memref<3x128x128xf32, #tpu.memory_space<vmem>> -> memref<1x128x128xf32, #tpu.memory_space<vmem>>
    %dma_start3A_179 = tpu.memref_squeeze %dma_start3A_178 : memref<1x128x128xf32, #tpu.memory_space<vmem>> -> memref<128x128xf32, #tpu.memory_space<vmem>>
    %dma_start3A_180 = arith.constant 0 : i32
    %dma_start3A_181 = tpu.memref_slice %arg6[%add3A_164, %dma_start3A_180] : memref<16384x128xf32, #tpu.memory_space<hbm>> -> memref<128x128xf32, #tpu.memory_space<hbm>>
    %dma_start3A_182 = arith.constant 0 : i32
    %dma_start3A_183 = tpu.memref_slice %arg6[%add3A_164, %dma_start3A_182] : memref<16384x128xf32, #tpu.memory_space<hbm>> -> memref<128x128xf32, #tpu.memory_space<hbm>>
    %dma_start3A_184 = arith.constant 0 : i32
    %dma_start3A_185 = arith.constant 0 : i32
    %dma_start3A_186 = tpu.memref_slice %arg10[%dma_start3A_175, %dma_start3A_184, %dma_start3A_185] : memref<3x128x128xf32, #tpu.memory_space<vmem>> -> memref<1x128x128xf32, #tpu.memory_space<vmem>>
    %dma_start3A_187 = tpu.memref_squeeze %dma_start3A_186 : memref<1x128x128xf32, #tpu.memory_space<vmem>> -> memref<128x128xf32, #tpu.memory_space<vmem>>
    tpu.enqueue_dma source(%dma_start3A_187 : memref<128x128xf32, #tpu.memory_space<vmem>>) target(%dma_start3A_183 : memref<128x128xf32, #tpu.memory_space<hbm>>) target_semaphore(%arg15 : memref<!tpu.dma_semaphore, #tpu.memory_space<semaphore_mem>>)
    %dma_wait3A_188 = arith.constant 1 : i32
    %dma_wait3A_189 = arith.constant 0 : i32
    %dma_wait3A_190 = arith.constant 0 : i32
    %dma_wait3A_191 = tpu.memref_slice %arg11[%dma_wait3A_188, %dma_wait3A_189, %dma_wait3A_190] : memref<3x128x128xf32, #tpu.memory_space<vmem>> -> memref<1x128x128xf32, #tpu.memory_space<vmem>>
    %dma_wait3A_192 = tpu.memref_squeeze %dma_wait3A_191 : memref<1x128x128xf32, #tpu.memory_space<vmem>> -> memref<128x128xf32, #tpu.memory_space<vmem>>
    %dma_wait3A_193 = arith.constant 128 : i32
    %dma_wait3A_194 = tpu.memref_slice %arg9[%dma_wait3A_193] : memref<512xi32, #tpu.memory_space<vmem>> -> memref<128xi32, #tpu.memory_space<vmem>>
    %dma_wait3A_195 = arith.constant 0 : i32
    %dma_wait3A_196 = arith.constant 0 : i32
    %dma_wait3A_197 = tpu.memref_slice %arg5[%dma_wait3A_195, %dma_wait3A_196] : memref<100000x128xf32, #tpu.memory_space<hbm>> -> memref<100000x128xf32, #tpu.memory_space<hbm>>
    tpu.wait_indirect_dma semaphore(%arg14 : memref<!tpu.dma_semaphore, #tpu.memory_space<semaphore_mem>>) src(%dma_wait3A_197 : memref<100000x128xf32, #tpu.memory_space<hbm>>) dst(%dma_wait3A_192 : memref<128x128xf32, #tpu.memory_space<vmem>>)
    %dma_start3A_198 = arith.constant 1 : i32
    %dma_start3A_199 = arith.constant 0 : i32
    %dma_start3A_200 = arith.constant 0 : i32
    %dma_start3A_201 = tpu.memref_slice %arg11[%dma_start3A_198, %dma_start3A_199, %dma_start3A_200] : memref<3x128x128xf32, #tpu.memory_space<vmem>> -> memref<1x128x128xf32, #tpu.memory_space<vmem>>
    %dma_start3A_202 = tpu.memref_squeeze %dma_start3A_201 : memref<1x128x128xf32, #tpu.memory_space<vmem>> -> memref<128x128xf32, #tpu.memory_space<vmem>>
    %dma_start3A_203 = arith.constant 0 : i32
    %dma_start3A_204 = tpu.memref_slice %arg7[%add3A_164, %dma_start3A_203] : memref<16384x128xf32, #tpu.memory_space<hbm>> -> memref<128x128xf32, #tpu.memory_space<hbm>>
    %dma_start3A_205 = arith.constant 0 : i32
    %dma_start3A_206 = tpu.memref_slice %arg7[%add3A_164, %dma_start3A_205] : memref<16384x128xf32, #tpu.memory_space<hbm>> -> memref<128x128xf32, #tpu.memory_space<hbm>>
    %dma_start3A_207 = arith.constant 0 : i32
    %dma_start3A_208 = arith.constant 0 : i32
    %dma_start3A_209 = tpu.memref_slice %arg11[%dma_start3A_198, %dma_start3A_207, %dma_start3A_208] : memref<3x128x128xf32, #tpu.memory_space<vmem>> -> memref<1x128x128xf32, #tpu.memory_space<vmem>>
    %dma_start3A_210 = tpu.memref_squeeze %dma_start3A_209 : memref<1x128x128xf32, #tpu.memory_space<vmem>> -> memref<128x128xf32, #tpu.memory_space<vmem>>
    tpu.enqueue_dma source(%dma_start3A_210 : memref<128x128xf32, #tpu.memory_space<vmem>>) target(%dma_start3A_206 : memref<128x128xf32, #tpu.memory_space<hbm>>) target_semaphore(%arg16 : memref<!tpu.dma_semaphore, #tpu.memory_space<semaphore_mem>>)
    %add3A_211 = arith.constant 256 : i32
    %add3A_212 = arith.addi %mul3A_2, %add3A_211 : i32
    %dma_wait3A_213 = arith.constant 2 : i32
    %dma_wait3A_214 = arith.constant 0 : i32
    %dma_wait3A_215 = arith.constant 0 : i32
    %dma_wait3A_216 = tpu.memref_slice %arg10[%dma_wait3A_213, %dma_wait3A_214, %dma_wait3A_215] : memref<3x128x128xf32, #tpu.memory_space<vmem>> -> memref<1x128x128xf32, #tpu.memory_space<vmem>>
    %dma_wait3A_217 = tpu.memref_squeeze %dma_wait3A_216 : memref<1x128x128xf32, #tpu.memory_space<vmem>> -> memref<128x128xf32, #tpu.memory_space<vmem>>
    %dma_wait3A_218 = arith.constant 256 : i32
    %dma_wait3A_219 = tpu.memref_slice %arg8[%dma_wait3A_218] : memref<512xi32, #tpu.memory_space<vmem>> -> memref<128xi32, #tpu.memory_space<vmem>>
    %dma_wait3A_220 = arith.constant 0 : i32
    %dma_wait3A_221 = arith.constant 0 : i32
    %dma_wait3A_222 = tpu.memref_slice %arg4[%dma_wait3A_220, %dma_wait3A_221] : memref<100000x128xf32, #tpu.memory_space<hbm>> -> memref<100000x128xf32, #tpu.memory_space<hbm>>
    tpu.wait_indirect_dma semaphore(%arg13 : memref<!tpu.dma_semaphore, #tpu.memory_space<semaphore_mem>>) src(%dma_wait3A_222 : memref<100000x128xf32, #tpu.memory_space<hbm>>) dst(%dma_wait3A_217 : memref<128x128xf32, #tpu.memory_space<vmem>>)
    %dma_start3A_223 = arith.constant 2 : i32
    %dma_start3A_224 = arith.constant 0 : i32
    %dma_start3A_225 = arith.constant 0 : i32
    %dma_start3A_226 = tpu.memref_slice %arg10[%dma_start3A_223, %dma_start3A_224, %dma_start3A_225] : memref<3x128x128xf32, #tpu.memory_space<vmem>> -> memref<1x128x128xf32, #tpu.memory_space<vmem>>
    %dma_start3A_227 = tpu.memref_squeeze %dma_start3A_226 : memref<1x128x128xf32, #tpu.memory_space<vmem>> -> memref<128x128xf32, #tpu.memory_space<vmem>>
    %dma_start3A_228 = arith.constant 0 : i32
    %dma_start3A_229 = tpu.memref_slice %arg6[%add3A_212, %dma_start3A_228] : memref<16384x128xf32, #tpu.memory_space<hbm>> -> memref<128x128xf32, #tpu.memory_space<hbm>>
    %dma_start3A_230 = arith.constant 0 : i32
    %dma_start3A_231 = tpu.memref_slice %arg6[%add3A_212, %dma_start3A_230] : memref<16384x128xf32, #tpu.memory_space<hbm>> -> memref<128x128xf32, #tpu.memory_space<hbm>>
    %dma_start3A_232 = arith.constant 0 : i32
    %dma_start3A_233 = arith.constant 0 : i32
    %dma_start3A_234 = tpu.memref_slice %arg10[%dma_start3A_223, %dma_start3A_232, %dma_start3A_233] : memref<3x128x128xf32, #tpu.memory_space<vmem>> -> memref<1x128x128xf32, #tpu.memory_space<vmem>>
    %dma_start3A_235 = tpu.memref_squeeze %dma_start3A_234 : memref<1x128x128xf32, #tpu.memory_space<vmem>> -> memref<128x128xf32, #tpu.memory_space<vmem>>
    tpu.enqueue_dma source(%dma_start3A_235 : memref<128x128xf32, #tpu.memory_space<vmem>>) target(%dma_start3A_231 : memref<128x128xf32, #tpu.memory_space<hbm>>) target_semaphore(%arg15 : memref<!tpu.dma_semaphore, #tpu.memory_space<semaphore_mem>>)
    %dma_wait3A_236 = arith.constant 2 : i32
    %dma_wait3A_237 = arith.constant 0 : i32
    %dma_wait3A_238 = arith.constant 0 : i32
    %dma_wait3A_239 = tpu.memref_slice %arg11[%dma_wait3A_236, %dma_wait3A_237, %dma_wait3A_238] : memref<3x128x128xf32, #tpu.memory_space<vmem>> -> memref<1x128x128xf32, #tpu.memory_space<vmem>>
    %dma_wait3A_240 = tpu.memref_squeeze %dma_wait3A_239 : memref<1x128x128xf32, #tpu.memory_space<vmem>> -> memref<128x128xf32, #tpu.memory_space<vmem>>
    %dma_wait3A_241 = arith.constant 256 : i32
    %dma_wait3A_242 = tpu.memref_slice %arg9[%dma_wait3A_241] : memref<512xi32, #tpu.memory_space<vmem>> -> memref<128xi32, #tpu.memory_space<vmem>>
    %dma_wait3A_243 = arith.constant 0 : i32
    %dma_wait3A_244 = arith.constant 0 : i32
    %dma_wait3A_245 = tpu.memref_slice %arg5[%dma_wait3A_243, %dma_wait3A_244] : memref<100000x128xf32, #tpu.memory_space<hbm>> -> memref<100000x128xf32, #tpu.memory_space<hbm>>
    tpu.wait_indirect_dma semaphore(%arg14 : memref<!tpu.dma_semaphore, #tpu.memory_space<semaphore_mem>>) src(%dma_wait3A_245 : memref<100000x128xf32, #tpu.memory_space<hbm>>) dst(%dma_wait3A_240 : memref<128x128xf32, #tpu.memory_space<vmem>>)
    %dma_start3A_246 = arith.constant 2 : i32
    %dma_start3A_247 = arith.constant 0 : i32
    %dma_start3A_248 = arith.constant 0 : i32
    %dma_start3A_249 = tpu.memref_slice %arg11[%dma_start3A_246, %dma_start3A_247, %dma_start3A_248] : memref<3x128x128xf32, #tpu.memory_space<vmem>> -> memref<1x128x128xf32, #tpu.memory_space<vmem>>
    %dma_start3A_250 = tpu.memref_squeeze %dma_start3A_249 : memref<1x128x128xf32, #tpu.memory_space<vmem>> -> memref<128x128xf32, #tpu.memory_space<vmem>>
    %dma_start3A_251 = arith.constant 0 : i32
    %dma_start3A_252 = tpu.memref_slice %arg7[%add3A_212, %dma_start3A_251] : memref<16384x128xf32, #tpu.memory_space<hbm>> -> memref<128x128xf32, #tpu.memory_space<hbm>>
    %dma_start3A_253 = arith.constant 0 : i32
    %dma_start3A_254 = tpu.memref_slice %arg7[%add3A_212, %dma_start3A_253] : memref<16384x128xf32, #tpu.memory_space<hbm>> -> memref<128x128xf32, #tpu.memory_space<hbm>>
    %dma_start3A_255 = arith.constant 0 : i32
    %dma_start3A_256 = arith.constant 0 : i32
    %dma_start3A_257 = tpu.memref_slice %arg11[%dma_start3A_246, %dma_start3A_255, %dma_start3A_256] : memref<3x128x128xf32, #tpu.memory_space<vmem>> -> memref<1x128x128xf32, #tpu.memory_space<vmem>>
    %dma_start3A_258 = tpu.memref_squeeze %dma_start3A_257 : memref<1x128x128xf32, #tpu.memory_space<vmem>> -> memref<128x128xf32, #tpu.memory_space<vmem>>
    tpu.enqueue_dma source(%dma_start3A_258 : memref<128x128xf32, #tpu.memory_space<vmem>>) target(%dma_start3A_254 : memref<128x128xf32, #tpu.memory_space<hbm>>) target_semaphore(%arg16 : memref<!tpu.dma_semaphore, #tpu.memory_space<semaphore_mem>>)
    %add3A_259 = arith.constant 384 : i32
    %add3A_260 = arith.addi %mul3A_2, %add3A_259 : i32
    %dma_wait3A_261 = arith.constant 0 : i32
    %dma_wait3A_262 = arith.constant 0 : i32
    %dma_wait3A_263 = arith.constant 0 : i32
    %dma_wait3A_264 = tpu.memref_slice %arg10[%dma_wait3A_261, %dma_wait3A_262, %dma_wait3A_263] : memref<3x128x128xf32, #tpu.memory_space<vmem>> -> memref<1x128x128xf32, #tpu.memory_space<vmem>>
    %dma_wait3A_265 = tpu.memref_squeeze %dma_wait3A_264 : memref<1x128x128xf32, #tpu.memory_space<vmem>> -> memref<128x128xf32, #tpu.memory_space<vmem>>
    %dma_wait3A_266 = arith.constant 384 : i32
    %dma_wait3A_267 = tpu.memref_slice %arg8[%dma_wait3A_266] : memref<512xi32, #tpu.memory_space<vmem>> -> memref<128xi32, #tpu.memory_space<vmem>>
    %dma_wait3A_268 = arith.constant 0 : i32
    %dma_wait3A_269 = arith.constant 0 : i32
    %dma_wait3A_270 = tpu.memref_slice %arg4[%dma_wait3A_268, %dma_wait3A_269] : memref<100000x128xf32, #tpu.memory_space<hbm>> -> memref<100000x128xf32, #tpu.memory_space<hbm>>
    tpu.wait_indirect_dma semaphore(%arg13 : memref<!tpu.dma_semaphore, #tpu.memory_space<semaphore_mem>>) src(%dma_wait3A_270 : memref<100000x128xf32, #tpu.memory_space<hbm>>) dst(%dma_wait3A_265 : memref<128x128xf32, #tpu.memory_space<vmem>>)
    %dma_start3A_271 = arith.constant 0 : i32
    %dma_start3A_272 = arith.constant 0 : i32
    %dma_start3A_273 = arith.constant 0 : i32
    %dma_start3A_274 = tpu.memref_slice %arg10[%dma_start3A_271, %dma_start3A_272, %dma_start3A_273] : memref<3x128x128xf32, #tpu.memory_space<vmem>> -> memref<1x128x128xf32, #tpu.memory_space<vmem>>
    %dma_start3A_275 = tpu.memref_squeeze %dma_start3A_274 : memref<1x128x128xf32, #tpu.memory_space<vmem>> -> memref<128x128xf32, #tpu.memory_space<vmem>>
    %dma_start3A_276 = arith.constant 0 : i32
    %dma_start3A_277 = tpu.memref_slice %arg6[%add3A_260, %dma_start3A_276] : memref<16384x128xf32, #tpu.memory_space<hbm>> -> memref<128x128xf32, #tpu.memory_space<hbm>>
    %dma_start3A_278 = arith.constant 0 : i32
    %dma_start3A_279 = tpu.memref_slice %arg6[%add3A_260, %dma_start3A_278] : memref<16384x128xf32, #tpu.memory_space<hbm>> -> memref<128x128xf32, #tpu.memory_space<hbm>>
    %dma_start3A_280 = arith.constant 0 : i32
    %dma_start3A_281 = arith.constant 0 : i32
    %dma_start3A_282 = tpu.memref_slice %arg10[%dma_start3A_271, %dma_start3A_280, %dma_start3A_281] : memref<3x128x128xf32, #tpu.memory_space<vmem>> -> memref<1x128x128xf32, #tpu.memory_space<vmem>>
    %dma_start3A_283 = tpu.memref_squeeze %dma_start3A_282 : memref<1x128x128xf32, #tpu.memory_space<vmem>> -> memref<128x128xf32, #tpu.memory_space<vmem>>
    tpu.enqueue_dma source(%dma_start3A_283 : memref<128x128xf32, #tpu.memory_space<vmem>>) target(%dma_start3A_279 : memref<128x128xf32, #tpu.memory_space<hbm>>) target_semaphore(%arg15 : memref<!tpu.dma_semaphore, #tpu.memory_space<semaphore_mem>>)
    %dma_wait3A_284 = arith.constant 0 : i32
    %dma_wait3A_285 = arith.constant 0 : i32
    %dma_wait3A_286 = arith.constant 0 : i32
    %dma_wait3A_287 = tpu.memref_slice %arg11[%dma_wait3A_284, %dma_wait3A_285, %dma_wait3A_286] : memref<3x128x128xf32, #tpu.memory_space<vmem>> -> memref<1x128x128xf32, #tpu.memory_space<vmem>>
    %dma_wait3A_288 = tpu.memref_squeeze %dma_wait3A_287 : memref<1x128x128xf32, #tpu.memory_space<vmem>> -> memref<128x128xf32, #tpu.memory_space<vmem>>
    %dma_wait3A_289 = arith.constant 384 : i32
    %dma_wait3A_290 = tpu.memref_slice %arg9[%dma_wait3A_289] : memref<512xi32, #tpu.memory_space<vmem>> -> memref<128xi32, #tpu.memory_space<vmem>>
    %dma_wait3A_291 = arith.constant 0 : i32
    %dma_wait3A_292 = arith.constant 0 : i32
    %dma_wait3A_293 = tpu.memref_slice %arg5[%dma_wait3A_291, %dma_wait3A_292] : memref<100000x128xf32, #tpu.memory_space<hbm>> -> memref<100000x128xf32, #tpu.memory_space<hbm>>
    tpu.wait_indirect_dma semaphore(%arg14 : memref<!tpu.dma_semaphore, #tpu.memory_space<semaphore_mem>>) src(%dma_wait3A_293 : memref<100000x128xf32, #tpu.memory_space<hbm>>) dst(%dma_wait3A_288 : memref<128x128xf32, #tpu.memory_space<vmem>>)
    %dma_start3A_294 = arith.constant 0 : i32
    %dma_start3A_295 = arith.constant 0 : i32
    %dma_start3A_296 = arith.constant 0 : i32
    %dma_start3A_297 = tpu.memref_slice %arg11[%dma_start3A_294, %dma_start3A_295, %dma_start3A_296] : memref<3x128x128xf32, #tpu.memory_space<vmem>> -> memref<1x128x128xf32, #tpu.memory_space<vmem>>
    %dma_start3A_298 = tpu.memref_squeeze %dma_start3A_297 : memref<1x128x128xf32, #tpu.memory_space<vmem>> -> memref<128x128xf32, #tpu.memory_space<vmem>>
    %dma_start3A_299 = arith.constant 0 : i32
    %dma_start3A_300 = tpu.memref_slice %arg7[%add3A_260, %dma_start3A_299] : memref<16384x128xf32, #tpu.memory_space<hbm>> -> memref<128x128xf32, #tpu.memory_space<hbm>>
    %dma_start3A_301 = arith.constant 0 : i32
    %dma_start3A_302 = tpu.memref_slice %arg7[%add3A_260, %dma_start3A_301] : memref<16384x128xf32, #tpu.memory_space<hbm>> -> memref<128x128xf32, #tpu.memory_space<hbm>>
    %dma_start3A_303 = arith.constant 0 : i32
    %dma_start3A_304 = arith.constant 0 : i32
    %dma_start3A_305 = tpu.memref_slice %arg11[%dma_start3A_294, %dma_start3A_303, %dma_start3A_304] : memref<3x128x128xf32, #tpu.memory_space<vmem>> -> memref<1x128x128xf32, #tpu.memory_space<vmem>>
    %dma_start3A_306 = tpu.memref_squeeze %dma_start3A_305 : memref<1x128x128xf32, #tpu.memory_space<vmem>> -> memref<128x128xf32, #tpu.memory_space<vmem>>
    tpu.enqueue_dma source(%dma_start3A_306 : memref<128x128xf32, #tpu.memory_space<vmem>>) target(%dma_start3A_302 : memref<128x128xf32, #tpu.memory_space<hbm>>) target_semaphore(%arg16 : memref<!tpu.dma_semaphore, #tpu.memory_space<semaphore_mem>>)
    %dma_wait3A_307 = arith.constant 1 : i32
    %dma_wait3A_308 = arith.constant 0 : i32
    %dma_wait3A_309 = arith.constant 0 : i32
    %dma_wait3A_310 = tpu.memref_slice %arg10[%dma_wait3A_307, %dma_wait3A_308, %dma_wait3A_309] : memref<3x128x128xf32, #tpu.memory_space<vmem>> -> memref<1x128x128xf32, #tpu.memory_space<vmem>>
    %dma_wait3A_311 = tpu.memref_squeeze %dma_wait3A_310 : memref<1x128x128xf32, #tpu.memory_space<vmem>> -> memref<128x128xf32, #tpu.memory_space<vmem>>
    %dma_wait3A_312 = arith.constant 0 : i32
    %dma_wait3A_313 = tpu.memref_slice %arg6[%add3A_164, %dma_wait3A_312] : memref<16384x128xf32, #tpu.memory_space<hbm>> -> memref<128x128xf32, #tpu.memory_space<hbm>>
    %dma_wait3A_314 = arith.constant 0 : i32
    %dma_wait3A_315 = tpu.memref_slice %arg6[%add3A_164, %dma_wait3A_314] : memref<16384x128xf32, #tpu.memory_space<hbm>> -> memref<128x128xf32, #tpu.memory_space<hbm>>
    %dma_wait3A_316 = arith.constant 0 : i32
    %dma_wait3A_317 = arith.constant 0 : i32
    %dma_wait3A_318 = tpu.memref_slice %arg10[%dma_wait3A_307, %dma_wait3A_316, %dma_wait3A_317] : memref<3x128x128xf32, #tpu.memory_space<vmem>> -> memref<1x128x128xf32, #tpu.memory_space<vmem>>
    %dma_wait3A_319 = tpu.memref_squeeze %dma_wait3A_318 : memref<1x128x128xf32, #tpu.memory_space<vmem>> -> memref<128x128xf32, #tpu.memory_space<vmem>>
    tpu.wait_dma2 semaphore(%arg15 : memref<!tpu.dma_semaphore, #tpu.memory_space<semaphore_mem>>) src(%dma_wait3A_319 : memref<128x128xf32, #tpu.memory_space<vmem>>) dst(%dma_wait3A_315 : memref<128x128xf32, #tpu.memory_space<hbm>>)
    %dma_wait3A_320 = arith.constant 1 : i32
    %dma_wait3A_321 = arith.constant 0 : i32
    %dma_wait3A_322 = arith.constant 0 : i32
    %dma_wait3A_323 = tpu.memref_slice %arg11[%dma_wait3A_320, %dma_wait3A_321, %dma_wait3A_322] : memref<3x128x128xf32, #tpu.memory_space<vmem>> -> memref<1x128x128xf32, #tpu.memory_space<vmem>>
    %dma_wait3A_324 = tpu.memref_squeeze %dma_wait3A_323 : memref<1x128x128xf32, #tpu.memory_space<vmem>> -> memref<128x128xf32, #tpu.memory_space<vmem>>
    %dma_wait3A_325 = arith.constant 0 : i32
    %dma_wait3A_326 = tpu.memref_slice %arg7[%add3A_164, %dma_wait3A_325] : memref<16384x128xf32, #tpu.memory_space<hbm>> -> memref<128x128xf32, #tpu.memory_space<hbm>>
    %dma_wait3A_327 = arith.constant 0 : i32
    %dma_wait3A_328 = tpu.memref_slice %arg7[%add3A_164, %dma_wait3A_327] : memref<16384x128xf32, #tpu.memory_space<hbm>> -> memref<128x128xf32, #tpu.memory_space<hbm>>
    %dma_wait3A_329 = arith.constant 0 : i32
    %dma_wait3A_330 = arith.constant 0 : i32
    %dma_wait3A_331 = tpu.memref_slice %arg11[%dma_wait3A_320, %dma_wait3A_329, %dma_wait3A_330] : memref<3x128x128xf32, #tpu.memory_space<vmem>> -> memref<1x128x128xf32, #tpu.memory_space<vmem>>
    %dma_wait3A_332 = tpu.memref_squeeze %dma_wait3A_331 : memref<1x128x128xf32, #tpu.memory_space<vmem>> -> memref<128x128xf32, #tpu.memory_space<vmem>>
    tpu.wait_dma2 semaphore(%arg16 : memref<!tpu.dma_semaphore, #tpu.memory_space<semaphore_mem>>) src(%dma_wait3A_332 : memref<128x128xf32, #tpu.memory_space<vmem>>) dst(%dma_wait3A_328 : memref<128x128xf32, #tpu.memory_space<hbm>>)
    %dma_wait3A_333 = arith.constant 2 : i32
    %dma_wait3A_334 = arith.constant 0 : i32
    %dma_wait3A_335 = arith.constant 0 : i32
    %dma_wait3A_336 = tpu.memref_slice %arg10[%dma_wait3A_333, %dma_wait3A_334, %dma_wait3A_335] : memref<3x128x128xf32, #tpu.memory_space<vmem>> -> memref<1x128x128xf32, #tpu.memory_space<vmem>>
    %dma_wait3A_337 = tpu.memref_squeeze %dma_wait3A_336 : memref<1x128x128xf32, #tpu.memory_space<vmem>> -> memref<128x128xf32, #tpu.memory_space<vmem>>
    %dma_wait3A_338 = arith.constant 0 : i32
    %dma_wait3A_339 = tpu.memref_slice %arg6[%add3A_212, %dma_wait3A_338] : memref<16384x128xf32, #tpu.memory_space<hbm>> -> memref<128x128xf32, #tpu.memory_space<hbm>>
    %dma_wait3A_340 = arith.constant 0 : i32
    %dma_wait3A_341 = tpu.memref_slice %arg6[%add3A_212, %dma_wait3A_340] : memref<16384x128xf32, #tpu.memory_space<hbm>> -> memref<128x128xf32, #tpu.memory_space<hbm>>
    %dma_wait3A_342 = arith.constant 0 : i32
    %dma_wait3A_343 = arith.constant 0 : i32
    %dma_wait3A_344 = tpu.memref_slice %arg10[%dma_wait3A_333, %dma_wait3A_342, %dma_wait3A_343] : memref<3x128x128xf32, #tpu.memory_space<vmem>> -> memref<1x128x128xf32, #tpu.memory_space<vmem>>
    %dma_wait3A_345 = tpu.memref_squeeze %dma_wait3A_344 : memref<1x128x128xf32, #tpu.memory_space<vmem>> -> memref<128x128xf32, #tpu.memory_space<vmem>>
    tpu.wait_dma2 semaphore(%arg15 : memref<!tpu.dma_semaphore, #tpu.memory_space<semaphore_mem>>) src(%dma_wait3A_345 : memref<128x128xf32, #tpu.memory_space<vmem>>) dst(%dma_wait3A_341 : memref<128x128xf32, #tpu.memory_space<hbm>>)
    %dma_wait3A_346 = arith.constant 2 : i32
    %dma_wait3A_347 = arith.constant 0 : i32
    %dma_wait3A_348 = arith.constant 0 : i32
    %dma_wait3A_349 = tpu.memref_slice %arg11[%dma_wait3A_346, %dma_wait3A_347, %dma_wait3A_348] : memref<3x128x128xf32, #tpu.memory_space<vmem>> -> memref<1x128x128xf32, #tpu.memory_space<vmem>>
    %dma_wait3A_350 = tpu.memref_squeeze %dma_wait3A_349 : memref<1x128x128xf32, #tpu.memory_space<vmem>> -> memref<128x128xf32, #tpu.memory_space<vmem>>
    %dma_wait3A_351 = arith.constant 0 : i32
    %dma_wait3A_352 = tpu.memref_slice %arg7[%add3A_212, %dma_wait3A_351] : memref<16384x128xf32, #tpu.memory_space<hbm>> -> memref<128x128xf32, #tpu.memory_space<hbm>>
    %dma_wait3A_353 = arith.constant 0 : i32
    %dma_wait3A_354 = tpu.memref_slice %arg7[%add3A_212, %dma_wait3A_353] : memref<16384x128xf32, #tpu.memory_space<hbm>> -> memref<128x128xf32, #tpu.memory_space<hbm>>
    %dma_wait3A_355 = arith.constant 0 : i32
    %dma_wait3A_356 = arith.constant 0 : i32
    %dma_wait3A_357 = tpu.memref_slice %arg11[%dma_wait3A_346, %dma_wait3A_355, %dma_wait3A_356] : memref<3x128x128xf32, #tpu.memory_space<vmem>> -> memref<1x128x128xf32, #tpu.memory_space<vmem>>
    %dma_wait3A_358 = tpu.memref_squeeze %dma_wait3A_357 : memref<1x128x128xf32, #tpu.memory_space<vmem>> -> memref<128x128xf32, #tpu.memory_space<vmem>>
    tpu.wait_dma2 semaphore(%arg16 : memref<!tpu.dma_semaphore, #tpu.memory_space<semaphore_mem>>) src(%dma_wait3A_358 : memref<128x128xf32, #tpu.memory_space<vmem>>) dst(%dma_wait3A_354 : memref<128x128xf32, #tpu.memory_space<hbm>>)
    %dma_wait3A_359 = arith.constant 0 : i32
    %dma_wait3A_360 = arith.constant 0 : i32
    %dma_wait3A_361 = arith.constant 0 : i32
    %dma_wait3A_362 = tpu.memref_slice %arg10[%dma_wait3A_359, %dma_wait3A_360, %dma_wait3A_361] : memref<3x128x128xf32, #tpu.memory_space<vmem>> -> memref<1x128x128xf32, #tpu.memory_space<vmem>>
    %dma_wait3A_363 = tpu.memref_squeeze %dma_wait3A_362 : memref<1x128x128xf32, #tpu.memory_space<vmem>> -> memref<128x128xf32, #tpu.memory_space<vmem>>
    %dma_wait3A_364 = arith.constant 0 : i32
    %dma_wait3A_365 = tpu.memref_slice %arg6[%add3A_260, %dma_wait3A_364] : memref<16384x128xf32, #tpu.memory_space<hbm>> -> memref<128x128xf32, #tpu.memory_space<hbm>>
    %dma_wait3A_366 = arith.constant 0 : i32
    %dma_wait3A_367 = tpu.memref_slice %arg6[%add3A_260, %dma_wait3A_366] : memref<16384x128xf32, #tpu.memory_space<hbm>> -> memref<128x128xf32, #tpu.memory_space<hbm>>
    %dma_wait3A_368 = arith.constant 0 : i32
    %dma_wait3A_369 = arith.constant 0 : i32
    %dma_wait3A_370 = tpu.memref_slice %arg10[%dma_wait3A_359, %dma_wait3A_368, %dma_wait3A_369] : memref<3x128x128xf32, #tpu.memory_space<vmem>> -> memref<1x128x128xf32, #tpu.memory_space<vmem>>
    %dma_wait3A_371 = tpu.memref_squeeze %dma_wait3A_370 : memref<1x128x128xf32, #tpu.memory_space<vmem>> -> memref<128x128xf32, #tpu.memory_space<vmem>>
    tpu.wait_dma2 semaphore(%arg15 : memref<!tpu.dma_semaphore, #tpu.memory_space<semaphore_mem>>) src(%dma_wait3A_371 : memref<128x128xf32, #tpu.memory_space<vmem>>) dst(%dma_wait3A_367 : memref<128x128xf32, #tpu.memory_space<hbm>>)
    %dma_wait3A_372 = arith.constant 0 : i32
    %dma_wait3A_373 = arith.constant 0 : i32
    %dma_wait3A_374 = arith.constant 0 : i32
    %dma_wait3A_375 = tpu.memref_slice %arg11[%dma_wait3A_372, %dma_wait3A_373, %dma_wait3A_374] : memref<3x128x128xf32, #tpu.memory_space<vmem>> -> memref<1x128x128xf32, #tpu.memory_space<vmem>>
    %dma_wait3A_376 = tpu.memref_squeeze %dma_wait3A_375 : memref<1x128x128xf32, #tpu.memory_space<vmem>> -> memref<128x128xf32, #tpu.memory_space<vmem>>
    %dma_wait3A_377 = arith.constant 0 : i32
    %dma_wait3A_378 = tpu.memref_slice %arg7[%add3A_260, %dma_wait3A_377] : memref<16384x128xf32, #tpu.memory_space<hbm>> -> memref<128x128xf32, #tpu.memory_space<hbm>>
    %dma_wait3A_379 = arith.constant 0 : i32
    %dma_wait3A_380 = tpu.memref_slice %arg7[%add3A_260, %dma_wait3A_379] : memref<16384x128xf32, #tpu.memory_space<hbm>> -> memref<128x128xf32, #tpu.memory_space<hbm>>
    %dma_wait3A_381 = arith.constant 0 : i32
    %dma_wait3A_382 = arith.constant 0 : i32
    %dma_wait3A_383 = tpu.memref_slice %arg11[%dma_wait3A_372, %dma_wait3A_381, %dma_wait3A_382] : memref<3x128x128xf32, #tpu.memory_space<vmem>> -> memref<1x128x128xf32, #tpu.memory_space<vmem>>
    %dma_wait3A_384 = tpu.memref_squeeze %dma_wait3A_383 : memref<1x128x128xf32, #tpu.memory_space<vmem>> -> memref<128x128xf32, #tpu.memory_space<vmem>>
    tpu.wait_dma2 semaphore(%arg16 : memref<!tpu.dma_semaphore, #tpu.memory_space<semaphore_mem>>) src(%dma_wait3A_384 : memref<128x128xf32, #tpu.memory_space<vmem>>) dst(%dma_wait3A_380 : memref<128x128xf32, #tpu.memory_space<hbm>>)
    return
  }
}

module attributes {stable_mosaic.version = 14 : i64} {
  func.func @_mlp_body(%arg0: i32, %arg1: memref<8192x128xf32, #tpu.memory_space<vmem>>, %arg2: memref<8192x128xf32, #tpu.memory_space<vmem>>, %arg3: memref<128x8xf32, #tpu.memory_space<vmem>>, %arg4: memref<128x8xf32, #tpu.memory_space<vmem>>, %arg5: memref<128x8xf32, #tpu.memory_space<vmem>>, %arg6: memref<1x8xf32, #tpu.memory_space<vmem>>, %arg7: memref<1x8xf32, #tpu.memory_space<vmem>>, %arg8: memref<1x1xf32, #tpu.memory_space<vmem>>, %arg9: memref<8192x1xf32, #tpu.memory_space<vmem>>) attributes {dimension_semantics = [#tpu.dimension_semantics<arbitrary>], iteration_bounds = array<i64: 2>, scalar_prefetch = 0 : i64, scratch_operands = 0 : i64, tpu.core_type = #tpu.core_type<tc>, window_params = [{transform_indices = @transform_0, window_bounds = array<i64: 8192, 128>}, {transform_indices = @transform_1, window_bounds = array<i64: 8192, 128>}, {pipeline_mode = #tpu.pipeline_mode<synchronous>, transform_indices = @transform_2, window_bounds = array<i64: 128, 8>}, {pipeline_mode = #tpu.pipeline_mode<synchronous>, transform_indices = @transform_3, window_bounds = array<i64: 128, 8>}, {pipeline_mode = #tpu.pipeline_mode<synchronous>, transform_indices = @transform_4, window_bounds = array<i64: 128, 8>}, {pipeline_mode = #tpu.pipeline_mode<synchronous>, transform_indices = @transform_5, window_bounds = array<i64: 1, 8>}, {pipeline_mode = #tpu.pipeline_mode<synchronous>, transform_indices = @transform_6, window_bounds = array<i64: 1, 8>}, {pipeline_mode = #tpu.pipeline_mode<synchronous>, transform_indices = @transform_7, window_bounds = array<i64: 1, 1>}, {transform_indices = @transform_8, window_bounds = array<i64: 8192, 1>}]} {
    %get3A = arith.constant 0 : index
    %get3A_0 = arith.constant 0 : index
    %get3A_1 = vector.load %arg1[%get3A, %get3A_0] : memref<8192x128xf32, #tpu.memory_space<vmem>>, vector<8192x128xf32>
    %get3A_2 = arith.constant 0 : index
    %get3A_3 = arith.constant 0 : index
    %get3A_4 = vector.load %arg2[%get3A_2, %get3A_3] : memref<8192x128xf32, #tpu.memory_space<vmem>>, vector<8192x128xf32>
    %mul3A = arith.mulf %get3A_1, %get3A_4 : vector<8192x128xf32>
    %get3A_5 = arith.constant 0 : index
    %get3A_6 = arith.constant 0 : index
    %get3A_7 = vector.load %arg3[%get3A_5, %get3A_6] : memref<128x8xf32, #tpu.memory_space<vmem>>, vector<128x8xf32>
    %dot_general3A = arith.constant dense<0.000000e+00> : vector<8192x8xf32>
    %dot_general3A_8 = tpu.matmul %mul3A, %get3A_7, %dot_general3A {dimension_numbers = #tpu.dot_dimension_numbers<[1], [0], [0], [1], [0, 0, 1, 1], [], []>, transpose_lhs_hint = false} : vector<8192x128xf32>, vector<128x8xf32>, vector<8192x8xf32> -> vector<8192x8xf32>
    %get3A_9 = arith.constant 0 : index
    %get3A_10 = arith.constant 0 : index
    %get3A_11 = vector.load %arg4[%get3A_9, %get3A_10] : memref<128x8xf32, #tpu.memory_space<vmem>>, vector<128x8xf32>
    %dot_general3A_12 = arith.constant dense<0.000000e+00> : vector<8192x8xf32>
    %dot_general3A_13 = tpu.matmul %get3A_1, %get3A_11, %dot_general3A_12 {dimension_numbers = #tpu.dot_dimension_numbers<[1], [0], [0], [1], [0, 0, 1, 1], [], []>, transpose_lhs_hint = false} : vector<8192x128xf32>, vector<128x8xf32>, vector<8192x8xf32> -> vector<8192x8xf32>
    %add3A = arith.addf %dot_general3A_8, %dot_general3A_13 : vector<8192x8xf32>
    %get3A_14 = arith.constant 0 : index
    %get3A_15 = arith.constant 0 : index
    %get3A_16 = vector.load %arg5[%get3A_14, %get3A_15] : memref<128x8xf32, #tpu.memory_space<vmem>>, vector<128x8xf32>
    %dot_general3A_17 = arith.constant dense<0.000000e+00> : vector<8192x8xf32>
    %dot_general3A_18 = tpu.matmul %get3A_4, %get3A_16, %dot_general3A_17 {dimension_numbers = #tpu.dot_dimension_numbers<[1], [0], [0], [1], [0, 0, 1, 1], [], []>, transpose_lhs_hint = false} : vector<8192x128xf32>, vector<128x8xf32>, vector<8192x8xf32> -> vector<8192x8xf32>
    %add3A_19 = arith.addf %add3A, %dot_general3A_18 : vector<8192x8xf32>
    %get3A_20 = arith.constant 0 : index
    %get3A_21 = arith.constant 0 : index
    %get3A_22 = vector.load %arg6[%get3A_20, %get3A_21] : memref<1x8xf32, #tpu.memory_space<vmem>>, vector<1x8xf32>
    %add3A_23 = vector.broadcast %get3A_22 : vector<1x8xf32> to vector<8192x8xf32>
    %add3A_24 = arith.addf %add3A_19, %add3A_23 : vector<8192x8xf32>
    %max3A = arith.constant 0.000000e+00 : f32
    %max3A_25 = vector.broadcast %max3A : f32 to vector<8192x8xf32>
    %max3A_26 = arith.maximumf %add3A_24, %max3A_25 : vector<8192x8xf32>
    %get3A_27 = arith.constant 0 : index
    %get3A_28 = arith.constant 0 : index
    %get3A_29 = vector.load %arg7[%get3A_27, %get3A_28] : memref<1x8xf32, #tpu.memory_space<vmem>>, vector<1x8xf32>
    %mul3A_30 = vector.broadcast %get3A_29 : vector<1x8xf32> to vector<8192x8xf32>
    %mul3A_31 = arith.mulf %max3A_26, %mul3A_30 : vector<8192x8xf32>
    %reduce_sum3A = arith.constant dense<0.000000e+00> : vector<8192xf32>
    %reduce_sum3A_32 = vector.multi_reduction <add>, %mul3A_31, %reduce_sum3A [1] : vector<8192x8xf32> to vector<8192xf32>
    %broadcast_in_dim3A = vector.shape_cast %reduce_sum3A_32 : vector<8192xf32> to vector<8192x1xf32>
    %get3A_33 = arith.constant 0 : index
    %get3A_34 = arith.constant 0 : index
    %get3A_35 = vector.load %arg8[%get3A_33, %get3A_34] : memref<1x1xf32, #tpu.memory_space<vmem>>, vector<1x1xf32>
    %add3A_36 = vector.broadcast %get3A_35 : vector<1x1xf32> to vector<8192x1xf32>
    %add3A_37 = arith.addf %broadcast_in_dim3A, %add3A_36 : vector<8192x1xf32>
    %neg3A = arith.constant 0.000000e+00 : f32
    %neg3A_38 = vector.broadcast %neg3A : f32 to vector<8192x1xf32>
    %neg3A_39 = arith.subf %neg3A_38, %add3A_37 : vector<8192x1xf32>
    %exp3A = math.exp %neg3A_39 : vector<8192x1xf32>
    %add3A_40 = arith.constant 1.000000e+00 : f32
    %add3A_41 = vector.broadcast %add3A_40 : f32 to vector<8192x1xf32>
    %add3A_42 = arith.addf %add3A_41, %exp3A : vector<8192x1xf32>
    %div3A = arith.constant 1.000000e+00 : f32
    %div3A_43 = vector.broadcast %div3A : f32 to vector<8192x1xf32>
    %div3A_44 = arith.divf %div3A_43, %add3A_42 : vector<8192x1xf32>
    %swap3A = arith.constant 0 : index
    %swap3A_45 = arith.constant 0 : index
    %swap3A_46 = vector.load %arg9[%swap3A, %swap3A_45] : memref<8192x1xf32, #tpu.memory_space<vmem>>, vector<8192x1xf32>
    tpu.vector_store %arg9[%swap3A, %swap3A_45], %div3A_44 {strides = array<i32>} : memref<8192x1xf32, #tpu.memory_space<vmem>>, vector<8192x1xf32>,
    return
  }
  func.func @transform_0(%arg0: i32) -> (i32, i32) {
    %c0_i32 = arith.constant 0 : i32
    %c0_i32_0 = arith.constant 0 : i32
    return %arg0, %c0_i32 : i32, i32
  }
  func.func @transform_1(%arg0: i32) -> (i32, i32) {
    %c0_i32 = arith.constant 0 : i32
    %c0_i32_0 = arith.constant 0 : i32
    return %arg0, %c0_i32 : i32, i32
  }
  func.func @transform_2(%arg0: i32) -> (i32, i32) {
    %c0_i32 = arith.constant 0 : i32
    %c0_i32_0 = arith.constant 0 : i32
    %c0_i32_1 = arith.constant 0 : i32
    return %c0_i32, %c0_i32_0 : i32, i32
  }
  func.func @transform_3(%arg0: i32) -> (i32, i32) {
    %c0_i32 = arith.constant 0 : i32
    %c0_i32_0 = arith.constant 0 : i32
    %c0_i32_1 = arith.constant 0 : i32
    return %c0_i32, %c0_i32_0 : i32, i32
  }
  func.func @transform_4(%arg0: i32) -> (i32, i32) {
    %c0_i32 = arith.constant 0 : i32
    %c0_i32_0 = arith.constant 0 : i32
    %c0_i32_1 = arith.constant 0 : i32
    return %c0_i32, %c0_i32_0 : i32, i32
  }
  func.func @transform_5(%arg0: i32) -> (i32, i32) {
    %c0_i32 = arith.constant 0 : i32
    %c0_i32_0 = arith.constant 0 : i32
    %c0_i32_1 = arith.constant 0 : i32
    return %c0_i32, %c0_i32_0 : i32, i32
  }
  func.func @transform_6(%arg0: i32) -> (i32, i32) {
    %c0_i32 = arith.constant 0 : i32
    %c0_i32_0 = arith.constant 0 : i32
    %c0_i32_1 = arith.constant 0 : i32
    return %c0_i32, %c0_i32_0 : i32, i32
  }
  func.func @transform_7(%arg0: i32) -> (i32, i32) {
    %c0_i32 = arith.constant 0 : i32
    %c0_i32_0 = arith.constant 0 : i32
    %c0_i32_1 = arith.constant 0 : i32
    return %c0_i32, %c0_i32_0 : i32, i32
  }
  func.func @transform_8(%arg0: i32) -> (i32, i32) {
    %c0_i32 = arith.constant 0 : i32
    %c0_i32_0 = arith.constant 0 : i32
    return %arg0, %c0_i32 : i32, i32
  }
}

</mosaic_0001>

<sc_bundles>
// kernel: kernel.4.cloned.1.call-start
scs
__scs_entry_jumppad:
0x0: {  	(pc) =	sbr.rel $0x88, $3  }
0x1: {  	(tag) =	ssettag $0x0;
	lr =	simm.s32 $0x1  }
0x2: {  	[smem:$0x3F99] =	sst lr;
	_ =	strace $0xD0000000  }
0x3: {  	_ = 	snop  }
0x4: {  	_ = 	snop  }
0x5: {  	_ = 	snop  }
0x6: {  	_ = 	snop  }
0x7: {  	_ = 	snop  }
__scs_overlays_trampoline_lowered:
0x8: {  	[smem:$0x3FA8] =	sst s0  }
0x9: {  	[smem:$0x3FA9] =	sst s1  }
0xa: {  	[smem:$0x3FAA] =	sst s2  }
0xb: {  	[smem:$0x3FAB] =	sst s3  }
0xc: {  	[smem:$0x3FAC] =	sst s4  }
0xd: {  	[smem:$0x3FAD] =	sst s5  }
0xe: {  	[smem:$0x3FAE] =	sst s6  }
0xf: {  	[smem:$0x3FAF] =	sst s7  }
0x10: {  	[smem:$0x3FB0] =	sst s8  }
0x11: {  	[smem:$0x3FB1] =	sst s9;
	s0 =	simm.s32 @!p0 $0x0  }
0x12: {  	s1 =	sld [smem:$0x3F97];
	s0 =	simm.s32 @p0 $0x1  }
0x13: {  	[smem:$0x3FB2] =	sst s0;
	s0 =	simm.s32 @!p1 $0x0  }
0x14: {  	s2 =	sld [smem:$0x3F96];
	s0 =	simm.s32 @p1 $0x1  }
0x15: {  	[smem:$0x3FB3] =	sst s0;
	s0 =	simm.s32 @!p2 $0x0  }
0x16: {  	s3 =	sld [smem:$0x3FDB];
	s0 =	simm.s32 @p2 $0x1  }
0x17: {  	s4 =	simm.s32 $0x1BF5;
	[smem:$0x3FB5] =	sst s0  }
0x18: {  	s0 =	sld [smem:$0x3F98];
	_ =	swait.ge [sflag:s4], $0x0  }
0x19: {  	s7 =	sld [smem:$0x3F99]  }
0x1a: {  	s8 =	sadd.s32 $0xFFFFE003, lr  }
0x1b: {  	s9 =	sadd.s32 $0xFFFFFEF7, lr;
	s5 =	simm.s32 $0xFFFFFFFF;
	p2 =	slt.u32 s8, $0xFFFFF086  }
0x1c: {  	p1 =	slt.u32 s9, $0xF7A;
	s5 =	simm.s32 @!p2 $0x0  }
0x1d: {  	s5 =	simm.s32 @p1 $0x1;
	p0 =	seq.s32 s7, s2  }
0x1e: {  	s7 =	smul.u32 @!p0 $0xF7A, s2;
	p2 =	seq.s32 @!p0 s5, $0x0  }
0x1f: {  	s9 =	smul.u32 $0xF7A, s1;
	s8 =	simm.s32 @!p0 $0x1BF5;
	p2 =	por !p2, p0  }
0x20: {  	[sflag:s8] =	ssyncset.s32 @!p0 $0xFFFFF086;
	s6 =	sadd.s32 @!p0 s3, s7;
	s7 =	simm.s32 @!p0 $0x108  }
0x21: {  	s3 =	sadd.s32 s3, s9;
	s6 =	sadd.s32 @!p0 $0x88, s6;
	s7 =	simm.s32 @p2 $0x1082  }
0x22: {  	[simem:s7], [sflag:s8] =	dma.local @!p0 [hbm:s6], $0xF7A  }
0x23: {  	s9 =	sor.u32 $0xD0000000, s2;
	s6 =	simm.s32 $0x108;
	_ =	swait.ge @!p0 [sflag:s8], $0x0  }
0x24: {  	s3 =	sadd.s32 $0x88, s3;
	s6 =	simm.s32 @!p1 $0x1082;
	[sflag:s4] =	ssyncset.s32 $0xFFFFF086  }
0x25: {  	[simem:s6], [sflag:s4] =	dma.local [hbm:s3], $0xF7A  }
0x26: {  	[smem:$0x3F99] =	sst s1;
	(tag) =	ssettag s2;
	_ =	strace s9  }
0x27: {  	s1 =	sld [smem:$0x3FA9]  }
0x28: {  	s2 =	sld [smem:$0x3FAA]  }
0x29: {  	s4 =	sld [smem:$0x3FAC]  }
0x2a: {  	p0 =	seq.s32 s5, $0x0;
	s5 =	sld [smem:$0x3FAD]  }
0x2b: {  	s6 =	sld [smem:$0x3FAE]  }
0x2c: {  	s7 =	sld [smem:$0x3FAF]  }
0x2d: {  	s3 =	simm.s32 $0x108;
	s8 =	sld [smem:$0x3FB0]  }
0x2e: {  	s3 =	simm.s32 @!p0 $0x1082;
	s9 =	sld [smem:$0x3FB1]  }
0x2f: {  	lr =	sadd.s32 s0, s3;
	s0 =	sld [smem:$0x3FA8]  }
0x30: {  	s3 =	sld [smem:$0x3FAB]  }
0x31: {  	[smem:$0x3FB4] =	sst s10  }
0x32: {  	s10 =	sld [smem:$0x3FB2];
	_ =	sdelay $0x3  }
0x33: {  	p0 =	seq.s32 s10, $0x1;
	s10 =	sld [smem:$0x3FB4];
	_ =	sdelay $0x3  }
0x34: {  	[smem:$0x3FB4] =	sst s10  }
0x35: {  	s10 =	sld [smem:$0x3FB3];
	_ =	sdelay $0x3  }
0x36: {  	p1 =	seq.s32 s10, $0x1;
	s10 =	sld [smem:$0x3FB4];
	_ =	sdelay $0x3  }
0x37: {  	[smem:$0x3FB4] =	sst s10  }
0x38: {  	s10 =	sld [smem:$0x3FB5]  }
0x39: {  	_ = 	snop;
	(pc) =	sbr.ind lr, $3  }
0x3a: {  	_ = 	snop  }
0x3b: {  	_ = 	snop  }
0x3c: {  	p2 =	seq.s32 s10, $0x1;
	s10 =	sld [smem:$0x3FB4]  }
0x3d: {  	_ =	shalt  }
0x3e: {  	_ =	shalt  }
0x3f: {  	_ =	shalt  }
0x40: {  	_ =	shalt  }
0x41: {  	_ =	shalt  }
0x42: {  	_ =	shalt  }
0x43: {  	_ =	shalt  }
0x44: {  	_ =	shalt  }
0x45: {  	_ =	shalt  }
0x46: {  	_ =	shalt  }
0x47: {  	_ =	shalt  }
0x48: {  	_ =	shalt  }
0x49: {  	_ =	shalt  }
0x4a: {  	_ =	shalt  }
0x4b: {  	_ =	shalt  }
0x4c: {  	_ =	shalt  }
0x4d: {  	_ =	shalt  }
0x4e: {  	_ =	shalt  }
0x4f: {  	_ =	shalt  }
0x50: {  	_ =	shalt  }
0x51: {  	_ =	shalt  }
0x52: {  	_ =	shalt  }
0x53: {  	_ =	shalt  }
0x54: {  	_ =	shalt  }
0x55: {  	_ =	shalt  }
0x56: {  	_ =	shalt  }
0x57: {  	_ =	shalt  }
0x58: {  	_ =	shalt  }
0x59: {  	_ =	shalt  }
0x5a: {  	_ =	shalt  }
0x5b: {  	_ =	shalt  }
0x5c: {  	_ =	shalt  }
0x5d: {  	_ =	shalt  }
0x5e: {  	_ =	shalt  }
0x5f: {  	_ =	shalt  }
0x60: {  	_ =	shalt  }
0x61: {  	_ =	shalt  }
0x62: {  	_ =	shalt  }
0x63: {  	_ =	shalt  }
0x64: {  	_ =	shalt  }
0x65: {  	_ =	shalt  }
0x66: {  	_ =	shalt  }
0x67: {  	_ =	shalt  }
0x68: {  	_ =	shalt  }
0x69: {  	_ =	shalt  }
0x6a: {  	_ =	shalt  }
0x6b: {  	_ =	shalt  }
0x6c: {  	_ =	shalt  }
0x6d: {  	_ =	shalt  }
0x6e: {  	_ =	shalt  }
0x6f: {  	_ =	shalt  }
0x70: {  	_ =	shalt  }
0x71: {  	_ =	shalt  }
0x72: {  	_ =	shalt  }
0x73: {  	_ =	shalt  }
0x74: {  	_ =	shalt  }
0x75: {  	_ =	shalt  }
0x76: {  	_ =	shalt  }
0x77: {  	_ =	shalt  }
0x78: {  	_ =	shalt  }
0x79: {  	_ =	shalt  }
0x7a: {  	_ =	shalt  }
0x7b: {  	_ =	shalt  }
0x7c: {  	_ =	shalt  }
0x7d: {  	_ =	shalt  }
0x7e: {  	_ =	shalt  }
0x7f: {  	_ =	shalt  }
0x80: {  	_ =	shalt  }
0x81: {  	_ =	shalt  }
0x82: {  	_ =	shalt  }
0x83: {  	_ =	shalt  }
0x84: {  	_ =	shalt  }
0x85: {  	_ =	shalt  }
0x86: {  	_ =	shalt  }
0x87: {  	_ =	shalt  }
.Lfunc_end0:
.L_simem_size_0:
called_computation_lowered:
.L_overlay_start_0:
0x88: {  	s2 =	sld [smem:$0x3FD9]  }
0x89: {  	s3 =	sld [smem:$0x3FFE];
	_ =	sdelay $0x1  }
0x8a: {  	s1 =	srdreg.scid  }
0x8b: {  	s0 =	sand.u32 $0x1, s1  }
0x8c: {  	s17 =	sshll.u32 s0, $0xA;
	s2 =	sadd.s32 s3, s2  }
0x8d: {  	s2 =	sadd.s32 s2, s17  }
0x8e: {  	[smem:$0x3FC0] =	sst s2  }
0x8f: {  	_ = 	snop  }
0x90: {  	s2 =	sld [smem:$0x3FC9]  }
0x91: {  	s18 =	sld [smem:$0x3FC8]  }
0x92: {  	s4 =	sld [smem:$0x3FC7]  }
0x93: {  	s5 =	sld [smem:$0x3FC6];
	(tm) =	ssettm $0x1  }
0x94: {  	s6 =	sld [smem:$0x3FFB];
	_ =	sdelay $0x3  }
0x95: {  	_ =	strace s6  }
0x96: {  	s6 =	sld [smem:$0x3FFC];
	_ =	sdelay $0x3  }
0x97: {  	_ =	strace s6  }
0x98: {  	s6 =	sld [smem:$0x3FFD];
	_ =	sdelay $0x3  }
0x99: {  	_ =	strace s6  }
0x9a: {  	_ =	strace $0x8FFFFFFF  }
0x9b: {  	s19 =	sld [smem:$0x3FDB];
	_ =	sdelay $0x1  }
0x9c: {  	s7 =	simm.s32 $_scs_section_size  }
0x9d: {  	s8 =	simm.s32 $_size__tile_overlayer_lowered;
	s9 =	simm.s32 $_tile_overlayer_lowered  }
0x9e: {  	s22 =	simm.s32 $0x1BFF;
	s21 =	sshll.u32 s9, $0x1;
	s6 =	sadd.s32 s7, s19  }
0x9f: {  	s10 =	simm.s32 $0x0;
	s20 =	sshll.u32 s8, $0x1;
	s8 =	sadd.s32 s21, s6  }
0xa0: {  	[timem:s10], [sflag:s22] =	dma.local [hbm:s8], s20  }
0xa1: {  	_ =	swait.ge [sflag:s22], s20  }
0xa2: {  	s7 =	ssub.s32 $0x0, s20;
	[sflag:s22] =	ssyncset.done $0x0  }
0xa3: {  	[sflag:s22] =	ssyncadd.s32 s7;
	_ =	sdelay $0x1  }
0xa4: {  	s23 =	simm.s32 $0x1B8B  }
0xa5: {  	_ =	swait.ge [sflag:s23], $0x1  }
0xa6: {  	[sflag:s23] =	ssyncset.done $0x0  }
0xa7: {  	s25 =	simm.s32 $0x1B8E;
	s24 =	sld [smem:$0x3FFE];
	[sflag:s23] =	ssyncadd.s32 $0xFFFFFFFF  }
0xa8: {  	s26 =	simm.s32 $execute0_lowered;
	[smem:$0x3FD2] =	sst s25  }
0xa9: {  	s8 =	sshll.u32 s26, $0x1;
	_ =	strace $0x80000046;
	[dreg:$0x1] =	wrdreg $0xFFFFFFFF  }
0xaa: {  	s28 =	simm.s32 $_size_execute0_lowered;
	s6 =	sadd.s32 s6, s8;
	[dreg:$0x0] =	wrdreg $0x0  }
0xab: {  	s8 =	sshll.u32 s28, $0x1;
	[dreg:$0x2] =	wrdreg s6  }
0xac: {  	[dreg:$0x3] =	wrdreg s8  }
0xad: {  	[dreg:$0x4] =	wrdreg $0xC0  }
0xae: {  	_ =	task [dreg:s10], $0x5FFFF  }
0xaf: {  	[dreg:$0x1] =	wrdreg $0xFFFFFFFF  }
0xb0: {  	[dreg:$0x0] =	wrdreg $0x60  }
0xb1: {  	[dreg:$0x2] =	wrdreg s2  }
0xb2: {  	[dreg:$0x3] =	wrdreg s18  }
0xb3: {  	[dreg:$0x4] =	wrdreg s4  }
0xb4: {  	[dreg:$0x5] =	wrdreg s5  }
0xb5: {  	[dreg:$0x6] =	wrdreg s24  }
0xb6: {  	[dreg:$0x7] =	wrdreg $0x9  }
0xb7: {  	_ =	task.clear_ibuf [dreg:s10], $0x8FFFF;
	_ =	strace $0x90000046  }
0xb8: {  	s29 =	simm.s32 $0x9;
	_ =	strace $0x80000048  }
0xb9: {  	_ =	swait.ge [sflag:s29], $0x1  }
0xba: {  	[sflag:s29] =	ssyncadd.s32 $0xFFFFFFFF  }
0xbb: {  	_ =	strace $0x90000048  }
0xbc: {  	_ =	sfence  }
0xbd: {  	s30 =	sld [smem:$0x0];
	_ =	sdelay $0x2  }
0xbe: {  	s31 =	sshll.u32 s1, $0xD;
	s1 =	sshrl.u32 s1, $0x2  }
0xbf: {  	s3 =	sand.u32 $0x4000, s31;
	s1 =	sadd.s32 s1, s30  }
0xc0: {  	s0 =	sor.u32 s3, s0;
	s1 =	sshll.u32 s1, $0x11  }
0xc1: {  	s0 =	sor.u32 s1, s0  }
0xc2: {  	s0 =	sadd.s32 $0x8F2B, s0  }
0xc3: {  	[sflag:s0] =	ssyncadd.remote.s32 $0x1  }
0xc4: {  	_ =	sfence.sel $0xFFFF  }
0xc5: {  	[dreg:$0x0] =	wrdreg $0xFFFFFFFF;
	(pc) =	sbr.abs _section_cstart, $3  }
0xc6: {  	[dreg:$0x1] =	wrdreg $0xFFFFFFFF  }
0xc7: {  	_ =	task.clear_ibuf [dreg:s10], $0x2FFFF;
	_ =	strace $0x9FFFFFFF  }
0xc8: {  	(tm) =	ssettm $0x7FFFFFFF  }
0xc9: {  	_ =	shalt  }
tec
execute0_lowered:
.L_overlay_start_1:
0x0: {  	(tag) =	ssettag $0x1  }
0x1: {  	s5 =	rddreg [dreg:$0x0];
	s1 =	srdreg.scid  }
0x2: {  	s6 =	rddreg [dreg:$0x1];
	s0 =	stileid.u32;
	s1 =	sand.u32 $0x1, s1  }
0x3: {  	s2 =	rddreg [dreg:$0x2];
	s7 =	sshll.u32 s0, $0xA;
	s8 =	sshll.u32 s1, $0x9  }
0x4: {  	s3 =	rddreg [dreg:$0x3];
	s18 =	sor.u32 s8, s7  }
0x5: {  	s20 =	rddreg [dreg:$0x4];
	s4 =	simm.s32 $0x0;
	s7 =	sshrl.u32 s18, $0x3  }
0x6: {  	[smem:$0x7FF] =	sst s4;
	s5 =	sadd.s32 s5, s7  }
0x7: {  	_ =	strace $0x80000047;
	s23 =	sadd.s32 s6, s7;
	[dreg:$0x6] =	wrdreg s5  }
0x8: {  	[dreg:$0x7] =	wrdreg s23  }
0x9: {  	s24 =	rddreg [dreg:$0x6]  }
0xa: {  	[tilespmem:s4], [sflag:$0x1] =	stream.linear.gather [hbm4b:s24+s4], $0x200, $0x38;
	[tilespmem:$0x18400] =	vst v63  }
0xb: {  	s6 =	simm.s32 $0x1;
	s5 =	simm.s32 $0x200;
	s25 =	rddreg [dreg:$0x7]  }
0xc: {  	[tilespmem:s5], [sflag:$0x1] =	stream.linear.gather [hbm4b:s25+s4], $0x200, $0x38;
	[tilespmem:$0x18400] =	vst v63  }
0xd: {  	_ =	swait.ge [sflag:s6], $0x200  }
0xe: {  	[sflag:s6] =	ssyncset.done $0x0  }
0xf: {  	[sflag:s6] =	ssyncadd.s32 $0xFFFFFE00  }
0x10: {  	_ =	swait.ge [sflag:s6], $0x200  }
0x11: {  	[sflag:s6] =	ssyncset.done $0x0  }
0x12: {  	s8 =	simm.s32 $0x400;
	s7 =	simm.s32 $0x80;
	[sflag:s6] =	ssyncadd.s32 $0xFFFFFE00  }
0x13: {  	[tilespmem:s8], [sflag:$0x2] =	stream.indirect.gather [hbm4b:s2+s7], $0x80, s4, s7, $0xb8;
	[tilespmem:$0x18400] =	vst v63  }
0x14: {  	s9 =	simm.s32 $0xC400  }
0x15: {  	[tilespmem:s9], [sflag:$0x3] =	stream.indirect.gather [hbm4b:s3+s7], $0x80, s5, s7, $0xb8;
	[tilespmem:$0x18400] =	vst v63  }
0x16: {  	s10 =	simm.s32 $0x4400  }
0x17: {  	[tilespmem:s10], [sflag:$0x2] =	stream.indirect.gather [hbm4b:s2+s7], $0x80, s7, s7, $0xb8;
	[tilespmem:$0x18400] =	vst v63  }
0x18: {  	s26 =	simm.s32 $0x280;
	s12 =	simm.s32 $0x10400  }
0x19: {  	[tilespmem:s12], [sflag:$0x3] =	stream.indirect.gather [hbm4b:s3+s7], $0x80, s26, s7, $0xb8;
	[tilespmem:$0x18400] =	vst v63  }
0x1a: {  	s13 =	simm.s32 $0x100;
	s14 =	simm.s32 $0x8400  }
0x1b: {  	[tilespmem:s14], [sflag:$0x2] =	stream.indirect.gather [hbm4b:s2+s7], $0x80, s13, s7, $0xb8;
	[tilespmem:$0x18400] =	vst v63  }
0x1c: {  	s15 =	simm.s32 $0x300;
	s16 =	simm.s32 $0x14400;
	s17 =	simm.s32 $0x2  }
0x1d: {  	[tilespmem:s16], [sflag:$0x3] =	stream.indirect.gather [hbm4b:s3+s7], $0x80, s15, s7, $0xb8;
	[tilespmem:$0x18400] =	vst v63  }
0x1e: {  	_ =	swait.ge [sflag:s17], $0x4000  }
0x1f: {  	s30 =	sadd.s32 $0x1200, s20;
	s31 =	sshll.u32 s18, $0x4;
	[sflag:s17] =	ssyncset.done $0x0  }
0x20: {  	s19 =	simm.s32 $0x3;
	s18 =	sadd.s32 s30, s31;
	[sflag:s17] =	ssyncadd.s32 $0xFFFFC000  }
0x21: {  	[hbm4b:s18+s4] =	stream.linear.scatter [tilespmem:s8], [sflag:$0x4], $0x4000, $0x38;
	[tilespmem:$0x18400] =	vst v63  }
0x22: {  	_ =	swait.ge [sflag:s19], $0x4000  }
0x23: {  	s11 =	sadd.s32 $0x41200, s20;
	[sflag:s19] =	ssyncset.done $0x0  }
0x24: {  	s21 =	simm.s32 $0x4;
	s20 =	sadd.s32 s11, s31;
	[sflag:s19] =	ssyncadd.s32 $0xFFFFC000  }
0x25: {  	[hbm4b:s20+s4] =	stream.linear.scatter [tilespmem:s9], [sflag:$0x5], $0x4000, $0x38;
	[tilespmem:$0x18400] =	vst v63  }
0x26: {  	_ =	swait.ge [sflag:s21], $0x4000  }
0x27: {  	[sflag:s21] =	ssyncset.done $0x0  }
0x28: {  	s22 =	simm.s32 $0x5;
	s23 =	simm.s32 $0x180;
	[sflag:s21] =	ssyncadd.s32 $0xFFFFC000  }
0x29: {  	[tilespmem:s8], [sflag:$0x2] =	stream.indirect.gather [hbm4b:s2+s7], $0x80, s23, s7, $0xb8;
	[tilespmem:$0x18400] =	vst v63  }
0x2a: {  	_ =	swait.ge [sflag:s22], $0x4000  }
0x2b: {  	[sflag:s22] =	ssyncset.done $0x0  }
0x2c: {  	s24 =	simm.s32 $0x380;
	[sflag:s22] =	ssyncadd.s32 $0xFFFFC000  }
0x2d: {  	[tilespmem:s9], [sflag:$0x3] =	stream.indirect.gather [hbm4b:s3+s7], $0x80, s24, s7, $0xb8;
	[tilespmem:$0x18400] =	vst v63  }
0x2e: {  	_ =	swait.ge [sflag:s17], $0x4000  }
0x2f: {  	s26 =	sor.u32 $0x800, s31;
	[sflag:s17] =	ssyncset.done $0x0  }
0x30: {  	s25 =	sadd.s32 s30, s26;
	[sflag:s17] =	ssyncadd.s32 $0xFFFFC000  }
0x31: {  	[hbm4b:s25+s4] =	stream.linear.scatter [tilespmem:s10], [sflag:$0x4], $0x4000, $0x38;
	[tilespmem:$0x18400] =	vst v63  }
0x32: {  	_ =	swait.ge [sflag:s19], $0x4000  }
0x33: {  	[sflag:s19] =	ssyncset.done $0x0  }
0x34: {  	s26 =	sadd.s32 s11, s26;
	[sflag:s19] =	ssyncadd.s32 $0xFFFFC000  }
0x35: {  	[hbm4b:s26+s4] =	stream.linear.scatter [tilespmem:s12], [sflag:$0x5], $0x4000, $0x38;
	[tilespmem:$0x18400] =	vst v63  }
0x36: {  	_ =	swait.ge [sflag:s17], $0x4000  }
0x37: {  	s29 =	sor.u32 $0x1000, s31;
	[sflag:s17] =	ssyncset.done $0x0  }
0x38: {  	s28 =	sadd.s32 s30, s29;
	[sflag:s17] =	ssyncadd.s32 $0xFFFFC000  }
0x39: {  	[hbm4b:s28+s4] =	stream.linear.scatter [tilespmem:s14], [sflag:$0x4], $0x4000, $0x38;
	[tilespmem:$0x18400] =	vst v63  }
0x3a: {  	_ =	swait.ge [sflag:s19], $0x4000  }
0x3b: {  	[sflag:s19] =	ssyncset.done $0x0  }
0x3c: {  	s29 =	sadd.s32 s11, s29;
	[sflag:s19] =	ssyncadd.s32 $0xFFFFC000  }
0x3d: {  	[hbm4b:s29+s4] =	stream.linear.scatter [tilespmem:s16], [sflag:$0x5], $0x4000, $0x38;
	[tilespmem:$0x18400] =	vst v63  }
0x3e: {  	_ =	swait.ge [sflag:s17], $0x4000  }
0x3f: {  	s31 =	sor.u32 $0x1800, s31;
	[sflag:s17] =	ssyncset.done $0x0  }
0x40: {  	s30 =	sadd.s32 s30, s31;
	[sflag:s17] =	ssyncadd.s32 $0xFFFFC000  }
0x41: {  	[hbm4b:s30+s4] =	stream.linear.scatter [tilespmem:s8], [sflag:$0x4], $0x4000, $0x38;
	[tilespmem:$0x18400] =	vst v63  }
0x42: {  	_ =	swait.ge [sflag:s19], $0x4000  }
0x43: {  	[sflag:s19] =	ssyncset.done $0x0  }
0x44: {  	s31 =	sadd.s32 s11, s31;
	[sflag:s19] =	ssyncadd.s32 $0xFFFFC000  }
0x45: {  	[hbm4b:s31+s4] =	stream.linear.scatter [tilespmem:s9], [sflag:$0x5], $0x4000, $0x38;
	[tilespmem:$0x18400] =	vst v63  }
0x46: {  	_ =	swait.ge [sflag:s21], $0x4000  }
0x47: {  	[sflag:s21] =	ssyncset.done $0x0  }
0x48: {  	[sflag:s21] =	ssyncadd.s32 $0xFFFFC000  }
0x49: {  	_ =	swait.ge [sflag:s22], $0x4000  }
0x4a: {  	[sflag:s22] =	ssyncset.done $0x0  }
0x4b: {  	[sflag:s22] =	ssyncadd.s32 $0xFFFFC000  }
0x4c: {  	s11 =	ssub.s32 $0x2, s1;
	_ =	swait.ge [sflag:s21], $0x4000  }
0x4d: {  	s1 =	sshrl.u32 s11, $0x1;
	[sflag:s21] =	ssyncset.done $0x0  }
0x4e: {  	s0 =	ssub.s32 s11, s1;
	[sflag:s21] =	ssyncadd.s32 $0xFFFFC000  }
0x4f: {  	s0 =	smax.u32 s0, $0x1;
	_ =	swait.ge [sflag:s22], $0x4000  }
0x50: {  	p0 =	sne.s32 s0, $0x1;
	[sflag:s22] =	ssyncset.done $0x0  }
.Ltmp0:
0x51: {  	[sflag:s22] =	ssyncadd.s32 $0xFFFFC000;
	(pc) =	sbr.rel @!p0 .LBB2_2-.Ltmp0, $4  }
0x52: {  	_ =	swait.ge [sflag:s21], $0x4000  }
0x53: {  	[sflag:s21] =	ssyncset.done $0x0  }
0x54: {  	[sflag:s21] =	ssyncadd.s32 $0xFFFFC000  }
0x55: {  	s1 =	sadd.s32 $0xFFFFFFFF, s0;
	_ =	swait.ge [sflag:s22], $0x4000  }
.LBB2_1:
0x56: {  	[sflag:s22] =	ssyncset.done $0x0  }
0x57: {  	s0 =	rddreg [dreg:$0x6];
	[sflag:s22] =	ssyncadd.s32 $0xFFFFC000  }
0x58: {  	[tilespmem:s4], [sflag:$0x1] =	stream.linear.gather [hbm4b:s0+s4], $0x200, $0x38;
	[tilespmem:$0x18400] =	vst v63  }
0x59: {  	s11 =	rddreg [dreg:$0x7]  }
0x5a: {  	[tilespmem:s5], [sflag:$0x1] =	stream.linear.gather [hbm4b:s11+s4], $0x200, $0x38;
	[tilespmem:$0x18400] =	vst v63  }
0x5b: {  	_ =	swait.ge [sflag:s6], $0x200  }
0x5c: {  	[sflag:s6] =	ssyncset.done $0x0  }
0x5d: {  	[sflag:s6] =	ssyncadd.s32 $0xFFFFFE00  }
0x5e: {  	_ =	swait.ge [sflag:s6], $0x200  }
0x5f: {  	[sflag:s6] =	ssyncset.done $0x0  }
0x60: {  	[sflag:s6] =	ssyncadd.s32 $0xFFFFFE00  }
0x61: {  	[tilespmem:s8], [sflag:$0x2] =	stream.indirect.gather [hbm4b:s2+s7], $0x80, s4, s7, $0xb8;
	[tilespmem:$0x18400] =	vst v63  }
0x62: {  	_ = 	snop  }
0x63: {  	[tilespmem:s9], [sflag:$0x3] =	stream.indirect.gather [hbm4b:s3+s7], $0x80, s5, s7, $0xb8;
	[tilespmem:$0x18400] =	vst v63  }
0x64: {  	_ = 	snop  }
0x65: {  	[tilespmem:s10], [sflag:$0x2] =	stream.indirect.gather [hbm4b:s2+s7], $0x80, s7, s7, $0xb8;
	[tilespmem:$0x18400] =	vst v63  }
0x66: {  	s11 =	simm.s32 $0x280  }
0x67: {  	[tilespmem:s12], [sflag:$0x3] =	stream.indirect.gather [hbm4b:s3+s7], $0x80, s11, s7, $0xb8;
	[tilespmem:$0x18400] =	vst v63  }
0x68: {  	_ = 	snop  }
0x69: {  	[tilespmem:s14], [sflag:$0x2] =	stream.indirect.gather [hbm4b:s2+s7], $0x80, s13, s7, $0xb8;
	[tilespmem:$0x18400] =	vst v63  }
0x6a: {  	_ = 	snop  }
0x6b: {  	[tilespmem:s16], [sflag:$0x3] =	stream.indirect.gather [hbm4b:s3+s7], $0x80, s15, s7, $0xb8;
	[tilespmem:$0x18400] =	vst v63  }
0x6c: {  	_ =	swait.ge [sflag:s17], $0x4000  }
0x6d: {  	[sflag:s17] =	ssyncset.done $0x0  }
0x6e: {  	[sflag:s17] =	ssyncadd.s32 $0xFFFFC000  }
0x6f: {  	[hbm4b:s18+s4] =	stream.linear.scatter [tilespmem:s8], [sflag:$0x4], $0x4000, $0x38;
	[tilespmem:$0x18400] =	vst v63  }
0x70: {  	_ =	swait.ge [sflag:s19], $0x4000  }
0x71: {  	[sflag:s19] =	ssyncset.done $0x0  }
0x72: {  	[sflag:s19] =	ssyncadd.s32 $0xFFFFC000  }
0x73: {  	[hbm4b:s20+s4] =	stream.linear.scatter [tilespmem:s9], [sflag:$0x5], $0x4000, $0x38;
	[tilespmem:$0x18400] =	vst v63  }
0x74: {  	_ =	swait.ge [sflag:s21], $0x4000  }
0x75: {  	[sflag:s21] =	ssyncset.done $0x0  }
0x76: {  	[sflag:s21] =	ssyncadd.s32 $0xFFFFC000  }
0x77: {  	[tilespmem:s8], [sflag:$0x2] =	stream.indirect.gather [hbm4b:s2+s7], $0x80, s23, s7, $0xb8;
	[tilespmem:$0x18400] =	vst v63  }
0x78: {  	_ =	swait.ge [sflag:s22], $0x4000  }
0x79: {  	[sflag:s22] =	ssyncset.done $0x0  }
0x7a: {  	[sflag:s22] =	ssyncadd.s32 $0xFFFFC000  }
0x7b: {  	[tilespmem:s9], [sflag:$0x3] =	stream.indirect.gather [hbm4b:s3+s7], $0x80, s24, s7, $0xb8;
	[tilespmem:$0x18400] =	vst v63  }
0x7c: {  	_ =	swait.ge [sflag:s17], $0x4000  }
0x7d: {  	[sflag:s17] =	ssyncset.done $0x0  }
0x7e: {  	[sflag:s17] =	ssyncadd.s32 $0xFFFFC000  }
0x7f: {  	[hbm4b:s25+s4] =	stream.linear.scatter [tilespmem:s10], [sflag:$0x4], $0x4000, $0x38;
	[tilespmem:$0x18400] =	vst v63  }
0x80: {  	_ =	swait.ge [sflag:s19], $0x4000  }
0x81: {  	[sflag:s19] =	ssyncset.done $0x0  }
0x82: {  	[sflag:s19] =	ssyncadd.s32 $0xFFFFC000  }
0x83: {  	[hbm4b:s26+s4] =	stream.linear.scatter [tilespmem:s12], [sflag:$0x5], $0x4000, $0x38;
	[tilespmem:$0x18400] =	vst v63  }
0x84: {  	_ =	swait.ge [sflag:s17], $0x4000  }
0x85: {  	[sflag:s17] =	ssyncset.done $0x0  }
0x86: {  	[sflag:s17] =	ssyncadd.s32 $0xFFFFC000  }
0x87: {  	[hbm4b:s28+s4] =	stream.linear.scatter [tilespmem:s14], [sflag:$0x4], $0x4000, $0x38;
	[tilespmem:$0x18400] =	vst v63  }
0x88: {  	_ =	swait.ge [sflag:s19], $0x4000  }
0x89: {  	[sflag:s19] =	ssyncset.done $0x0  }
0x8a: {  	[sflag:s19] =	ssyncadd.s32 $0xFFFFC000  }
0x8b: {  	[hbm4b:s29+s4] =	stream.linear.scatter [tilespmem:s16], [sflag:$0x5], $0x4000, $0x38;
	[tilespmem:$0x18400] =	vst v63  }
0x8c: {  	_ =	swait.ge [sflag:s17], $0x4000  }
0x8d: {  	[sflag:s17] =	ssyncset.done $0x0  }
0x8e: {  	[sflag:s17] =	ssyncadd.s32 $0xFFFFC000  }
0x8f: {  	[hbm4b:s30+s4] =	stream.linear.scatter [tilespmem:s8], [sflag:$0x4], $0x4000, $0x38;
	[tilespmem:$0x18400] =	vst v63  }
0x90: {  	_ =	swait.ge [sflag:s19], $0x4000  }
0x91: {  	[sflag:s19] =	ssyncset.done $0x0  }
0x92: {  	[sflag:s19] =	ssyncadd.s32 $0xFFFFC000  }
0x93: {  	[hbm4b:s31+s4] =	stream.linear.scatter [tilespmem:s9], [sflag:$0x5], $0x4000, $0x38;
	[tilespmem:$0x18400] =	vst v63  }
0x94: {  	_ =	swait.ge [sflag:s21], $0x4000  }
0x95: {  	[sflag:s21] =	ssyncset.done $0x0  }
0x96: {  	[sflag:s21] =	ssyncadd.s32 $0xFFFFC000  }
0x97: {  	_ =	swait.ge [sflag:s22], $0x4000  }
0x98: {  	[sflag:s22] =	ssyncset.done $0x0  }
0x99: {  	[sflag:s22] =	ssyncadd.s32 $0xFFFFC000  }
0x9a: {  	_ =	swait.ge [sflag:s21], $0x4000  }
0x9b: {  	[sflag:s21] =	ssyncset.done $0x0  }
0x9c: {  	[sflag:s21] =	ssyncadd.s32 $0xFFFFC000  }
0x9d: {  	_ =	swait.ge [sflag:s22], $0x4000  }
0x9e: {  	p0 =	sne.s32 s1, $0x1;
	[sflag:s22] =	ssyncset.done $0x0  }
.Ltmp1:
0x9f: {  	[sflag:s22] =	ssyncadd.s32 $0xFFFFC000;
	(pc) =	sbr.rel @p0 .LBB2_1-.Ltmp1, $4  }
0xa0: {  	_ =	swait.ge [sflag:s21], $0x4000  }
0xa1: {  	[sflag:s21] =	ssyncset.done $0x0  }
0xa2: {  	[sflag:s21] =	ssyncadd.s32 $0xFFFFC000  }
0xa3: {  	s1 =	sadd.s32 $0xFFFFFFFF, s1;
	_ =	swait.ge [sflag:s22], $0x4000  }
.LBB2_2:
0xa4: {  	[sflag:s22] =	ssyncset.done $0x0  }
0xa5: {  	[sflag:s22] =	ssyncadd.s32 $0xFFFFC000  }
0xa6: {  	_ =	sfence.sel $0x180000  }
0xa7: {  	[bflag:$0x0] =	sbarrier.arrive $0xFFFF  }
0xa8: {  	_ =	strace $0x90000047  }
0xa9: {  	s0 =	stileid.u32;
	[bflag:$0x2] =	sbarrier.arrive $0xFFFF  }
0xaa: {  	p0 =	sne.s32 s0, $0x0;
	s0 =	rddreg [dreg:$0x5]  }
0xab: {  	s0 =	sadd.s32 @!p0 $0x100000, s0  }
0xac: {  	[sflag:s0] =	ssyncadd.tile.s32 @!p0 $0x1;
	_ =	shalt  }
.Lfunc_end2:
_tile_overlayer_lowered:
.L_overlay_start_2:
0xad: {  	(tag) =	ssettag $0x2  }
0xae: {  	s0 =	rddreg [dreg:$0x0];
	s2 =	stileid.u32  }
0xaf: {  	s1 =	rddreg [dreg:$0x1];
	p0 =	sne.s32 s2, $0x0  }
0xb0: {  	s3 =	rddreg [dreg:$0x2];
	[bflag:$0x3] =	sbarrier.arrive $0xFFFF;
	s2 =	simm.s32 @!p0 $0x1C06  }
0xb1: {  	[timem:s3], [sflag:s2] =	dma.local @!p0 [hbm:s0], s1  }
0xb2: {  	s0 =	simm.s32 @!p0 $0x6  }
0xb3: {  	_ =	swait.ge @!p0 [sflag:s0], s1  }
0xb4: {  	s1 =	ssub.s32 @!p0 $0x0, s1;
	[sflag:s0] =	ssyncset.done @!p0 $0x0  }
0xb5: {  	[sflag:s0] =	ssyncadd.s32 @!p0 s1  }
0xb6: {  	[bflag:$0x3] =	sbarrier.arrive $0xFFFF  }
0xb7: {  	_ =	shalt  }

</sc_bundles>
